<compile_context>
chip_gen: v7x
topology: tpu7x:2x2x1
jax: 0.10.2.dev20260603
libtpu: 0.0.44.dev20260713+nightly
codegen_flags: <defaults>
</compile_context>

<pallas_src>
import functools

import jax
import jax.numpy as jnp
from jax import lax
from jax.experimental import pallas as pl
from jax.experimental.pallas import tpu as pltpu
from jax.experimental.pallas import tpu_sc as plsc


def kernel(input_seqs, pos_emb):
    B, L = input_seqs.shape
    Lk, E = pos_emb.shape
    D = Lk * E
    flat = pos_emb.reshape(D)

    info = plsc.get_sparse_core_info()
    NC, NS = info.num_cores, info.num_subcores
    NW = NC * NS
    bpw = B // NW
    K = 16
    n_dma = bpw // K
    WINDOW = 8

    mesh = plsc.VectorSubcoreMesh(core_axis_name="c", subcore_axis_name="s")

    @functools.partial(
        pl.kernel,
        mesh=mesh,
        out_type=jax.ShapeDtypeStruct((B, D), jnp.float32),
        scratch_types=[
            pltpu.VMEM((K, D), jnp.float32),
            pltpu.SemaphoreType.DMA,
            pltpu.SemaphoreType.DMA,
        ],
    )
    def k(emb_hbm, out_hbm, buf, fill_sem, out_sem):
        wid = lax.axis_index("s") * NC + lax.axis_index("c")
        base = wid * bpw

        fills = [pltpu.async_copy(emb_hbm, buf.at[i], fill_sem) for i in range(K)]
        for c in fills:
            c.wait()

        pending = []
        for i in range(n_dma):
            if len(pending) == WINDOW:
                pending.pop(0).wait()
            pending.append(
                pltpu.async_copy(buf, out_hbm.at[pl.ds(base + i * K, K)], out_sem)
            )
        for c in pending:
            c.wait()

    out = k(flat)
    return out.reshape(B, L, E)

# --- scband reference (transcript-rebuilt; emitter-appended) ---
"""Pipeline reference for scband-positional-embedding-38860864094669 (READ-ONLY COPY).

The authoritative reference and input builder live on the scoring server;
editing this copy changes nothing except your own understanding.
"""

import jax, jax.numpy as jnp
import numpy as np

LOOKBACK = 200
EMB_SIZE = 32
BATCH = 16384
HIST_LEN = 200

def setup_inputs(seed: int = 0) -> dict:
    key = jax.random.key(seed)
    k1, k2 = jax.random.split(key)
    input_seqs = jax.random.randint(k1, (BATCH, HIST_LEN), 0, 1000, dtype=jnp.int64 if jax.config.read('jax_enable_x64') else jnp.int32)
    pos_emb = jax.random.normal(k2, (LOOKBACK, EMB_SIZE), dtype=jnp.float32)
    return {"input_seqs": input_seqs, "pos_emb": pos_emb}

def reference(input_seqs, pos_emb):
    B, L = input_seqs.shape
    positions = jnp.tile(jnp.arange(L), (B, 1))
    return jnp.take(pos_emb, positions, axis=0)

if __name__ == "__main__":
    import jax
    _d = setup_inputs()
    print(jax.jit(kernel)(*tuple(_d.values())))

</pallas_src>

<mosaic_0001>
#map = affine_map<(d0, d1) -> (0)>
#map1 = affine_map<(d0, d1) -> (0, 0)>
module attributes {stable_mosaic.version = 14 : i64} {
  func.func @k(%arg0: i32, %arg1: i32, %arg2: memref<6400xf32, #tpu.memory_space<hbm>>, %arg3: memref<16384x6400xf32, #tpu.memory_space<hbm>>, %arg4: memref<16x6400xf32, #tpu.memory_space<vmem>>, %arg5: memref<!tpu.dma_semaphore, #tpu.memory_space<semaphore_mem>>, %arg6: memref<!tpu.dma_semaphore, #tpu.memory_space<semaphore_mem>>) attributes {dimension_semantics = [#tpu.dimension_semantics<core_parallel>, #tpu.dimension_semantics<subcore_parallel>], iteration_bounds = array<i64: 2, 16>, scalar_prefetch = 0 : i64, scratch_operands = 3 : i64, tpu.core_type = #tpu.core_type<sc_vector_subcore>, window_params = [{transform_indices = #map}, {transform_indices = #map1}]} {
    %mul3A = arith.constant 2 : i32
    %mul3A_0 = arith.muli %arg1, %mul3A : i32
    %add3A = arith.addi %mul3A_0, %arg0 : i32
    %mul3A_1 = arith.constant 512 : i32
    %mul3A_2 = arith.muli %add3A, %mul3A_1 : i32
    %dma_start3A = arith.constant 0 : i32
    %dma_start3A_3 = arith.constant 0 : i32
    %dma_start3A_4 = tpu.memref_slice %arg4[%dma_start3A, %dma_start3A_3] : memref<16x6400xf32, #tpu.memory_space<vmem>> -> memref<1x6400xf32, #tpu.memory_space<vmem>>
    %dma_start3A_5 = tpu.memref_squeeze %dma_start3A_4 : memref<1x6400xf32, #tpu.memory_space<vmem>> -> memref<6400xf32, #tpu.memory_space<vmem>>
    %dma_start3A_6 = arith.constant 0 : i32
    %dma_start3A_7 = tpu.memref_slice %arg4[%dma_start3A, %dma_start3A_6] : memref<16x6400xf32, #tpu.memory_space<vmem>> -> memref<1x6400xf32, #tpu.memory_space<vmem>>
    %dma_start3A_8 = tpu.memref_squeeze %dma_start3A_7 : memref<1x6400xf32, #tpu.memory_space<vmem>> -> memref<6400xf32, #tpu.memory_space<vmem>>
    tpu.enqueue_dma source(%arg2 : memref<6400xf32, #tpu.memory_space<hbm>>) target(%dma_start3A_8 : memref<6400xf32, #tpu.memory_space<vmem>>) target_semaphore(%arg5 : memref<!tpu.dma_semaphore, #tpu.memory_space<semaphore_mem>>)
    %dma_start3A_9 = arith.constant 1 : i32
    %dma_start3A_10 = arith.constant 0 : i32
    %dma_start3A_11 = tpu.memref_slice %arg4[%dma_start3A_9, %dma_start3A_10] : memref<16x6400xf32, #tpu.memory_space<vmem>> -> memref<1x6400xf32, #tpu.memory_space<vmem>>
    %dma_start3A_12 = tpu.memref_squeeze %dma_start3A_11 : memref<1x6400xf32, #tpu.memory_space<vmem>> -> memref<6400xf32, #tpu.memory_space<vmem>>
    %dma_start3A_13 = arith.constant 0 : i32
    %dma_start3A_14 = tpu.memref_slice %arg4[%dma_start3A_9, %dma_start3A_13] : memref<16x6400xf32, #tpu.memory_space<vmem>> -> memref<1x6400xf32, #tpu.memory_space<vmem>>
    %dma_start3A_15 = tpu.memref_squeeze %dma_start3A_14 : memref<1x6400xf32, #tpu.memory_space<vmem>> -> memref<6400xf32, #tpu.memory_space<vmem>>
    tpu.enqueue_dma source(%arg2 : memref<6400xf32, #tpu.memory_space<hbm>>) target(%dma_start3A_15 : memref<6400xf32, #tpu.memory_space<vmem>>) target_semaphore(%arg5 : memref<!tpu.dma_semaphore, #tpu.memory_space<semaphore_mem>>)
    %dma_start3A_16 = arith.constant 2 : i32
    %dma_start3A_17 = arith.constant 0 : i32
    %dma_start3A_18 = tpu.memref_slice %arg4[%dma_start3A_16, %dma_start3A_17] : memref<16x6400xf32, #tpu.memory_space<vmem>> -> memref<1x6400xf32, #tpu.memory_space<vmem>>
    %dma_start3A_19 = tpu.memref_squeeze %dma_start3A_18 : memref<1x6400xf32, #tpu.memory_space<vmem>> -> memref<6400xf32, #tpu.memory_space<vmem>>
    %dma_start3A_20 = arith.constant 0 : i32
    %dma_start3A_21 = tpu.memref_slice %arg4[%dma_start3A_16, %dma_start3A_20] : memref<16x6400xf32, #tpu.memory_space<vmem>> -> memref<1x6400xf32, #tpu.memory_space<vmem>>
    %dma_start3A_22 = tpu.memref_squeeze %dma_start3A_21 : memref<1x6400xf32, #tpu.memory_space<vmem>> -> memref<6400xf32, #tpu.memory_space<vmem>>
    tpu.enqueue_dma source(%arg2 : memref<6400xf32, #tpu.memory_space<hbm>>) target(%dma_start3A_22 : memref<6400xf32, #tpu.memory_space<vmem>>) target_semaphore(%arg5 : memref<!tpu.dma_semaphore, #tpu.memory_space<semaphore_mem>>)
    %dma_start3A_23 = arith.constant 3 : i32
    %dma_start3A_24 = arith.constant 0 : i32
    %dma_start3A_25 = tpu.memref_slice %arg4[%dma_start3A_23, %dma_start3A_24] : memref<16x6400xf32, #tpu.memory_space<vmem>> -> memref<1x6400xf32, #tpu.memory_space<vmem>>
    %dma_start3A_26 = tpu.memref_squeeze %dma_start3A_25 : memref<1x6400xf32, #tpu.memory_space<vmem>> -> memref<6400xf32, #tpu.memory_space<vmem>>
    %dma_start3A_27 = arith.constant 0 : i32
    %dma_start3A_28 = tpu.memref_slice %arg4[%dma_start3A_23, %dma_start3A_27] : memref<16x6400xf32, #tpu.memory_space<vmem>> -> memref<1x6400xf32, #tpu.memory_space<vmem>>
    %dma_start3A_29 = tpu.memref_squeeze %dma_start3A_28 : memref<1x6400xf32, #tpu.memory_space<vmem>> -> memref<6400xf32, #tpu.memory_space<vmem>>
    tpu.enqueue_dma source(%arg2 : memref<6400xf32, #tpu.memory_space<hbm>>) target(%dma_start3A_29 : memref<6400xf32, #tpu.memory_space<vmem>>) target_semaphore(%arg5 : memref<!tpu.dma_semaphore, #tpu.memory_space<semaphore_mem>>)
    %dma_start3A_30 = arith.constant 4 : i32
    %dma_start3A_31 = arith.constant 0 : i32
    %dma_start3A_32 = tpu.memref_slice %arg4[%dma_start3A_30, %dma_start3A_31] : memref<16x6400xf32, #tpu.memory_space<vmem>> -> memref<1x6400xf32, #tpu.memory_space<vmem>>
    %dma_start3A_33 = tpu.memref_squeeze %dma_start3A_32 : memref<1x6400xf32, #tpu.memory_space<vmem>> -> memref<6400xf32, #tpu.memory_space<vmem>>
    %dma_start3A_34 = arith.constant 0 : i32
    %dma_start3A_35 = tpu.memref_slice %arg4[%dma_start3A_30, %dma_start3A_34] : memref<16x6400xf32, #tpu.memory_space<vmem>> -> memref<1x6400xf32, #tpu.memory_space<vmem>>
    %dma_start3A_36 = tpu.memref_squeeze %dma_start3A_35 : memref<1x6400xf32, #tpu.memory_space<vmem>> -> memref<6400xf32, #tpu.memory_space<vmem>>
    tpu.enqueue_dma source(%arg2 : memref<6400xf32, #tpu.memory_space<hbm>>) target(%dma_start3A_36 : memref<6400xf32, #tpu.memory_space<vmem>>) target_semaphore(%arg5 : memref<!tpu.dma_semaphore, #tpu.memory_space<semaphore_mem>>)
    %dma_start3A_37 = arith.constant 5 : i32
    %dma_start3A_38 = arith.constant 0 : i32
    %dma_start3A_39 = tpu.memref_slice %arg4[%dma_start3A_37, %dma_start3A_38] : memref<16x6400xf32, #tpu.memory_space<vmem>> -> memref<1x6400xf32, #tpu.memory_space<vmem>>
    %dma_start3A_40 = tpu.memref_squeeze %dma_start3A_39 : memref<1x6400xf32, #tpu.memory_space<vmem>> -> memref<6400xf32, #tpu.memory_space<vmem>>
    %dma_start3A_41 = arith.constant 0 : i32
    %dma_start3A_42 = tpu.memref_slice %arg4[%dma_start3A_37, %dma_start3A_41] : memref<16x6400xf32, #tpu.memory_space<vmem>> -> memref<1x6400xf32, #tpu.memory_space<vmem>>
    %dma_start3A_43 = tpu.memref_squeeze %dma_start3A_42 : memref<1x6400xf32, #tpu.memory_space<vmem>> -> memref<6400xf32, #tpu.memory_space<vmem>>
    tpu.enqueue_dma source(%arg2 : memref<6400xf32, #tpu.memory_space<hbm>>) target(%dma_start3A_43 : memref<6400xf32, #tpu.memory_space<vmem>>) target_semaphore(%arg5 : memref<!tpu.dma_semaphore, #tpu.memory_space<semaphore_mem>>)
    %dma_start3A_44 = arith.constant 6 : i32
    %dma_start3A_45 = arith.constant 0 : i32
    %dma_start3A_46 = tpu.memref_slice %arg4[%dma_start3A_44, %dma_start3A_45] : memref<16x6400xf32, #tpu.memory_space<vmem>> -> memref<1x6400xf32, #tpu.memory_space<vmem>>
    %dma_start3A_47 = tpu.memref_squeeze %dma_start3A_46 : memref<1x6400xf32, #tpu.memory_space<vmem>> -> memref<6400xf32, #tpu.memory_space<vmem>>
    %dma_start3A_48 = arith.constant 0 : i32
    %dma_start3A_49 = tpu.memref_slice %arg4[%dma_start3A_44, %dma_start3A_48] : memref<16x6400xf32, #tpu.memory_space<vmem>> -> memref<1x6400xf32, #tpu.memory_space<vmem>>
    %dma_start3A_50 = tpu.memref_squeeze %dma_start3A_49 : memref<1x6400xf32, #tpu.memory_space<vmem>> -> memref<6400xf32, #tpu.memory_space<vmem>>
    tpu.enqueue_dma source(%arg2 : memref<6400xf32, #tpu.memory_space<hbm>>) target(%dma_start3A_50 : memref<6400xf32, #tpu.memory_space<vmem>>) target_semaphore(%arg5 : memref<!tpu.dma_semaphore, #tpu.memory_space<semaphore_mem>>)
    %dma_start3A_51 = arith.constant 7 : i32
    %dma_start3A_52 = arith.constant 0 : i32
    %dma_start3A_53 = tpu.memref_slice %arg4[%dma_start3A_51, %dma_start3A_52] : memref<16x6400xf32, #tpu.memory_space<vmem>> -> memref<1x6400xf32, #tpu.memory_space<vmem>>
    %dma_start3A_54 = tpu.memref_squeeze %dma_start3A_53 : memref<1x6400xf32, #tpu.memory_space<vmem>> -> memref<6400xf32, #tpu.memory_space<vmem>>
    %dma_start3A_55 = arith.constant 0 : i32
    %dma_start3A_56 = tpu.memref_slice %arg4[%dma_start3A_51, %dma_start3A_55] : memref<16x6400xf32, #tpu.memory_space<vmem>> -> memref<1x6400xf32, #tpu.memory_space<vmem>>
    %dma_start3A_57 = tpu.memref_squeeze %dma_start3A_56 : memref<1x6400xf32, #tpu.memory_space<vmem>> -> memref<6400xf32, #tpu.memory_space<vmem>>
    tpu.enqueue_dma source(%arg2 : memref<6400xf32, #tpu.memory_space<hbm>>) target(%dma_start3A_57 : memref<6400xf32, #tpu.memory_space<vmem>>) target_semaphore(%arg5 : memref<!tpu.dma_semaphore, #tpu.memory_space<semaphore_mem>>)
    %dma_start3A_58 = arith.constant 8 : i32
    %dma_start3A_59 = arith.constant 0 : i32
    %dma_start3A_60 = tpu.memref_slice %arg4[%dma_start3A_58, %dma_start3A_59] : memref<16x6400xf32, #tpu.memory_space<vmem>> -> memref<1x6400xf32, #tpu.memory_space<vmem>>
    %dma_start3A_61 = tpu.memref_squeeze %dma_start3A_60 : memref<1x6400xf32, #tpu.memory_space<vmem>> -> memref<6400xf32, #tpu.memory_space<vmem>>
    %dma_start3A_62 = arith.constant 0 : i32
    %dma_start3A_63 = tpu.memref_slice %arg4[%dma_start3A_58, %dma_start3A_62] : memref<16x6400xf32, #tpu.memory_space<vmem>> -> memref<1x6400xf32, #tpu.memory_space<vmem>>
    %dma_start3A_64 = tpu.memref_squeeze %dma_start3A_63 : memref<1x6400xf32, #tpu.memory_space<vmem>> -> memref<6400xf32, #tpu.memory_space<vmem>>
    tpu.enqueue_dma source(%arg2 : memref<6400xf32, #tpu.memory_space<hbm>>) target(%dma_start3A_64 : memref<6400xf32, #tpu.memory_space<vmem>>) target_semaphore(%arg5 : memref<!tpu.dma_semaphore, #tpu.memory_space<semaphore_mem>>)
    %dma_start3A_65 = arith.constant 9 : i32
    %dma_start3A_66 = arith.constant 0 : i32
    %dma_start3A_67 = tpu.memref_slice %arg4[%dma_start3A_65, %dma_start3A_66] : memref<16x6400xf32, #tpu.memory_space<vmem>> -> memref<1x6400xf32, #tpu.memory_space<vmem>>
    %dma_start3A_68 = tpu.memref_squeeze %dma_start3A_67 : memref<1x6400xf32, #tpu.memory_space<vmem>> -> memref<6400xf32, #tpu.memory_space<vmem>>
    %dma_start3A_69 = arith.constant 0 : i32
    %dma_start3A_70 = tpu.memref_slice %arg4[%dma_start3A_65, %dma_start3A_69] : memref<16x6400xf32, #tpu.memory_space<vmem>> -> memref<1x6400xf32, #tpu.memory_space<vmem>>
    %dma_start3A_71 = tpu.memref_squeeze %dma_start3A_70 : memref<1x6400xf32, #tpu.memory_space<vmem>> -> memref<6400xf32, #tpu.memory_space<vmem>>
    tpu.enqueue_dma source(%arg2 : memref<6400xf32, #tpu.memory_space<hbm>>) target(%dma_start3A_71 : memref<6400xf32, #tpu.memory_space<vmem>>) target_semaphore(%arg5 : memref<!tpu.dma_semaphore, #tpu.memory_space<semaphore_mem>>)
    %dma_start3A_72 = arith.constant 10 : i32
    %dma_start3A_73 = arith.constant 0 : i32
    %dma_start3A_74 = tpu.memref_slice %arg4[%dma_start3A_72, %dma_start3A_73] : memref<16x6400xf32, #tpu.memory_space<vmem>> -> memref<1x6400xf32, #tpu.memory_space<vmem>>
    %dma_start3A_75 = tpu.memref_squeeze %dma_start3A_74 : memref<1x6400xf32, #tpu.memory_space<vmem>> -> memref<6400xf32, #tpu.memory_space<vmem>>
    %dma_start3A_76 = arith.constant 0 : i32
    %dma_start3A_77 = tpu.memref_slice %arg4[%dma_start3A_72, %dma_start3A_76] : memref<16x6400xf32, #tpu.memory_space<vmem>> -> memref<1x6400xf32, #tpu.memory_space<vmem>>
    %dma_start3A_78 = tpu.memref_squeeze %dma_start3A_77 : memref<1x6400xf32, #tpu.memory_space<vmem>> -> memref<6400xf32, #tpu.memory_space<vmem>>
    tpu.enqueue_dma source(%arg2 : memref<6400xf32, #tpu.memory_space<hbm>>) target(%dma_start3A_78 : memref<6400xf32, #tpu.memory_space<vmem>>) target_semaphore(%arg5 : memref<!tpu.dma_semaphore, #tpu.memory_space<semaphore_mem>>)
    %dma_start3A_79 = arith.constant 11 : i32
    %dma_start3A_80 = arith.constant 0 : i32
    %dma_start3A_81 = tpu.memref_slice %arg4[%dma_start3A_79, %dma_start3A_80] : memref<16x6400xf32, #tpu.memory_space<vmem>> -> memref<1x6400xf32, #tpu.memory_space<vmem>>
    %dma_start3A_82 = tpu.memref_squeeze %dma_start3A_81 : memref<1x6400xf32, #tpu.memory_space<vmem>> -> memref<6400xf32, #tpu.memory_space<vmem>>
    %dma_start3A_83 = arith.constant 0 : i32
    %dma_start3A_84 = tpu.memref_slice %arg4[%dma_start3A_79, %dma_start3A_83] : memref<16x6400xf32, #tpu.memory_space<vmem>> -> memref<1x6400xf32, #tpu.memory_space<vmem>>
    %dma_start3A_85 = tpu.memref_squeeze %dma_start3A_84 : memref<1x6400xf32, #tpu.memory_space<vmem>> -> memref<6400xf32, #tpu.memory_space<vmem>>
    tpu.enqueue_dma source(%arg2 : memref<6400xf32, #tpu.memory_space<hbm>>) target(%dma_start3A_85 : memref<6400xf32, #tpu.memory_space<vmem>>) target_semaphore(%arg5 : memref<!tpu.dma_semaphore, #tpu.memory_space<semaphore_mem>>)
    %dma_start3A_86 = arith.constant 12 : i32
    %dma_start3A_87 = arith.constant 0 : i32
    %dma_start3A_88 = tpu.memref_slice %arg4[%dma_start3A_86, %dma_start3A_87] : memref<16x6400xf32, #tpu.memory_space<vmem>> -> memref<1x6400xf32, #tpu.memory_space<vmem>>
    %dma_start3A_89 = tpu.memref_squeeze %dma_start3A_88 : memref<1x6400xf32, #tpu.memory_space<vmem>> -> memref<6400xf32, #tpu.memory_space<vmem>>
    %dma_start3A_90 = arith.constant 0 : i32
    %dma_start3A_91 = tpu.memref_slice %arg4[%dma_start3A_86, %dma_start3A_90] : memref<16x6400xf32, #tpu.memory_space<vmem>> -> memref<1x6400xf32, #tpu.memory_space<vmem>>
    %dma_start3A_92 = tpu.memref_squeeze %dma_start3A_91 : memref<1x6400xf32, #tpu.memory_space<vmem>> -> memref<6400xf32, #tpu.memory_space<vmem>>
    tpu.enqueue_dma source(%arg2 : memref<6400xf32, #tpu.memory_space<hbm>>) target(%dma_start3A_92 : memref<6400xf32, #tpu.memory_space<vmem>>) target_semaphore(%arg5 : memref<!tpu.dma_semaphore, #tpu.memory_space<semaphore_mem>>)
    %dma_start3A_93 = arith.constant 13 : i32
    %dma_start3A_94 = arith.constant 0 : i32
    %dma_start3A_95 = tpu.memref_slice %arg4[%dma_start3A_93, %dma_start3A_94] : memref<16x6400xf32, #tpu.memory_space<vmem>> -> memref<1x6400xf32, #tpu.memory_space<vmem>>
    %dma_start3A_96 = tpu.memref_squeeze %dma_start3A_95 : memref<1x6400xf32, #tpu.memory_space<vmem>> -> memref<6400xf32, #tpu.memory_space<vmem>>
    %dma_start3A_97 = arith.constant 0 : i32
    %dma_start3A_98 = tpu.memref_slice %arg4[%dma_start3A_93, %dma_start3A_97] : memref<16x6400xf32, #tpu.memory_space<vmem>> -> memref<1x6400xf32, #tpu.memory_space<vmem>>
    %dma_start3A_99 = tpu.memref_squeeze %dma_start3A_98 : memref<1x6400xf32, #tpu.memory_space<vmem>> -> memref<6400xf32, #tpu.memory_space<vmem>>
    tpu.enqueue_dma source(%arg2 : memref<6400xf32, #tpu.memory_space<hbm>>) target(%dma_start3A_99 : memref<6400xf32, #tpu.memory_space<vmem>>) target_semaphore(%arg5 : memref<!tpu.dma_semaphore, #tpu.memory_space<semaphore_mem>>)
    %dma_start3A_100 = arith.constant 14 : i32
    %dma_start3A_101 = arith.constant 0 : i32
    %dma_start3A_102 = tpu.memref_slice %arg4[%dma_start3A_100, %dma_start3A_101] : memref<16x6400xf32, #tpu.memory_space<vmem>> -> memref<1x6400xf32, #tpu.memory_space<vmem>>
    %dma_start3A_103 = tpu.memref_squeeze %dma_start3A_102 : memref<1x6400xf32, #tpu.memory_space<vmem>> -> memref<6400xf32, #tpu.memory_space<vmem>>
    %dma_start3A_104 = arith.constant 0 : i32
    %dma_start3A_105 = tpu.memref_slice %arg4[%dma_start3A_100, %dma_start3A_104] : memref<16x6400xf32, #tpu.memory_space<vmem>> -> memref<1x6400xf32, #tpu.memory_space<vmem>>
    %dma_start3A_106 = tpu.memref_squeeze %dma_start3A_105 : memref<1x6400xf32, #tpu.memory_space<vmem>> -> memref<6400xf32, #tpu.memory_space<vmem>>
    tpu.enqueue_dma source(%arg2 : memref<6400xf32, #tpu.memory_space<hbm>>) target(%dma_start3A_106 : memref<6400xf32, #tpu.memory_space<vmem>>) target_semaphore(%arg5 : memref<!tpu.dma_semaphore, #tpu.memory_space<semaphore_mem>>)
    %dma_start3A_107 = arith.constant 15 : i32
    %dma_start3A_108 = arith.constant 0 : i32
    %dma_start3A_109 = tpu.memref_slice %arg4[%dma_start3A_107, %dma_start3A_108] : memref<16x6400xf32, #tpu.memory_space<vmem>> -> memref<1x6400xf32, #tpu.memory_space<vmem>>
    %dma_start3A_110 = tpu.memref_squeeze %dma_start3A_109 : memref<1x6400xf32, #tpu.memory_space<vmem>> -> memref<6400xf32, #tpu.memory_space<vmem>>
    %dma_start3A_111 = arith.constant 0 : i32
    %dma_start3A_112 = tpu.memref_slice %arg4[%dma_start3A_107, %dma_start3A_111] : memref<16x6400xf32, #tpu.memory_space<vmem>> -> memref<1x6400xf32, #tpu.memory_space<vmem>>
    %dma_start3A_113 = tpu.memref_squeeze %dma_start3A_112 : memref<1x6400xf32, #tpu.memory_space<vmem>> -> memref<6400xf32, #tpu.memory_space<vmem>>
    tpu.enqueue_dma source(%arg2 : memref<6400xf32, #tpu.memory_space<hbm>>) target(%dma_start3A_113 : memref<6400xf32, #tpu.memory_space<vmem>>) target_semaphore(%arg5 : memref<!tpu.dma_semaphore, #tpu.memory_space<semaphore_mem>>)
    %dma_wait3A = arith.constant 0 : i32
    %dma_wait3A_114 = arith.constant 0 : i32
    %dma_wait3A_115 = tpu.memref_slice %arg4[%dma_wait3A, %dma_wait3A_114] : memref<16x6400xf32, #tpu.memory_space<vmem>> -> memref<1x6400xf32, #tpu.memory_space<vmem>>
    %dma_wait3A_116 = tpu.memref_squeeze %dma_wait3A_115 : memref<1x6400xf32, #tpu.memory_space<vmem>> -> memref<6400xf32, #tpu.memory_space<vmem>>
    %dma_wait3A_117 = arith.constant 0 : i32
    %dma_wait3A_118 = tpu.memref_slice %arg4[%dma_wait3A, %dma_wait3A_117] : memref<16x6400xf32, #tpu.memory_space<vmem>> -> memref<1x6400xf32, #tpu.memory_space<vmem>>
    %dma_wait3A_119 = tpu.memref_squeeze %dma_wait3A_118 : memref<1x6400xf32, #tpu.memory_space<vmem>> -> memref<6400xf32, #tpu.memory_space<vmem>>
    tpu.wait_dma2 semaphore(%arg5 : memref<!tpu.dma_semaphore, #tpu.memory_space<semaphore_mem>>) src(%arg2 : memref<6400xf32, #tpu.memory_space<hbm>>) dst(%dma_wait3A_119 : memref<6400xf32, #tpu.memory_space<vmem>>)
    %dma_wait3A_120 = arith.constant 1 : i32
    %dma_wait3A_121 = arith.constant 0 : i32
    %dma_wait3A_122 = tpu.memref_slice %arg4[%dma_wait3A_120, %dma_wait3A_121] : memref<16x6400xf32, #tpu.memory_space<vmem>> -> memref<1x6400xf32, #tpu.memory_space<vmem>>
    %dma_wait3A_123 = tpu.memref_squeeze %dma_wait3A_122 : memref<1x6400xf32, #tpu.memory_space<vmem>> -> memref<6400xf32, #tpu.memory_space<vmem>>
    %dma_wait3A_124 = arith.constant 0 : i32
    %dma_wait3A_125 = tpu.memref_slice %arg4[%dma_wait3A_120, %dma_wait3A_124] : memref<16x6400xf32, #tpu.memory_space<vmem>> -> memref<1x6400xf32, #tpu.memory_space<vmem>>
    %dma_wait3A_126 = tpu.memref_squeeze %dma_wait3A_125 : memref<1x6400xf32, #tpu.memory_space<vmem>> -> memref<6400xf32, #tpu.memory_space<vmem>>
    tpu.wait_dma2 semaphore(%arg5 : memref<!tpu.dma_semaphore, #tpu.memory_space<semaphore_mem>>) src(%arg2 : memref<6400xf32, #tpu.memory_space<hbm>>) dst(%dma_wait3A_126 : memref<6400xf32, #tpu.memory_space<vmem>>)
    %dma_wait3A_127 = arith.constant 2 : i32
    %dma_wait3A_128 = arith.constant 0 : i32
    %dma_wait3A_129 = tpu.memref_slice %arg4[%dma_wait3A_127, %dma_wait3A_128] : memref<16x6400xf32, #tpu.memory_space<vmem>> -> memref<1x6400xf32, #tpu.memory_space<vmem>>
    %dma_wait3A_130 = tpu.memref_squeeze %dma_wait3A_129 : memref<1x6400xf32, #tpu.memory_space<vmem>> -> memref<6400xf32, #tpu.memory_space<vmem>>
    %dma_wait3A_131 = arith.constant 0 : i32
    %dma_wait3A_132 = tpu.memref_slice %arg4[%dma_wait3A_127, %dma_wait3A_131] : memref<16x6400xf32, #tpu.memory_space<vmem>> -> memref<1x6400xf32, #tpu.memory_space<vmem>>
    %dma_wait3A_133 = tpu.memref_squeeze %dma_wait3A_132 : memref<1x6400xf32, #tpu.memory_space<vmem>> -> memref<6400xf32, #tpu.memory_space<vmem>>
    tpu.wait_dma2 semaphore(%arg5 : memref<!tpu.dma_semaphore, #tpu.memory_space<semaphore_mem>>) src(%arg2 : memref<6400xf32, #tpu.memory_space<hbm>>) dst(%dma_wait3A_133 : memref<6400xf32, #tpu.memory_space<vmem>>)
    %dma_wait3A_134 = arith.constant 3 : i32
    %dma_wait3A_135 = arith.constant 0 : i32
    %dma_wait3A_136 = tpu.memref_slice %arg4[%dma_wait3A_134, %dma_wait3A_135] : memref<16x6400xf32, #tpu.memory_space<vmem>> -> memref<1x6400xf32, #tpu.memory_space<vmem>>
    %dma_wait3A_137 = tpu.memref_squeeze %dma_wait3A_136 : memref<1x6400xf32, #tpu.memory_space<vmem>> -> memref<6400xf32, #tpu.memory_space<vmem>>
    %dma_wait3A_138 = arith.constant 0 : i32
    %dma_wait3A_139 = tpu.memref_slice %arg4[%dma_wait3A_134, %dma_wait3A_138] : memref<16x6400xf32, #tpu.memory_space<vmem>> -> memref<1x6400xf32, #tpu.memory_space<vmem>>
    %dma_wait3A_140 = tpu.memref_squeeze %dma_wait3A_139 : memref<1x6400xf32, #tpu.memory_space<vmem>> -> memref<6400xf32, #tpu.memory_space<vmem>>
    tpu.wait_dma2 semaphore(%arg5 : memref<!tpu.dma_semaphore, #tpu.memory_space<semaphore_mem>>) src(%arg2 : memref<6400xf32, #tpu.memory_space<hbm>>) dst(%dma_wait3A_140 : memref<6400xf32, #tpu.memory_space<vmem>>)
    %dma_wait3A_141 = arith.constant 4 : i32
    %dma_wait3A_142 = arith.constant 0 : i32
    %dma_wait3A_143 = tpu.memref_slice %arg4[%dma_wait3A_141, %dma_wait3A_142] : memref<16x6400xf32, #tpu.memory_space<vmem>> -> memref<1x6400xf32, #tpu.memory_space<vmem>>
    %dma_wait3A_144 = tpu.memref_squeeze %dma_wait3A_143 : memref<1x6400xf32, #tpu.memory_space<vmem>> -> memref<6400xf32, #tpu.memory_space<vmem>>
    %dma_wait3A_145 = arith.constant 0 : i32
    %dma_wait3A_146 = tpu.memref_slice %arg4[%dma_wait3A_141, %dma_wait3A_145] : memref<16x6400xf32, #tpu.memory_space<vmem>> -> memref<1x6400xf32, #tpu.memory_space<vmem>>
    %dma_wait3A_147 = tpu.memref_squeeze %dma_wait3A_146 : memref<1x6400xf32, #tpu.memory_space<vmem>> -> memref<6400xf32, #tpu.memory_space<vmem>>
    tpu.wait_dma2 semaphore(%arg5 : memref<!tpu.dma_semaphore, #tpu.memory_space<semaphore_mem>>) src(%arg2 : memref<6400xf32, #tpu.memory_space<hbm>>) dst(%dma_wait3A_147 : memref<6400xf32, #tpu.memory_space<vmem>>)
    %dma_wait3A_148 = arith.constant 5 : i32
    %dma_wait3A_149 = arith.constant 0 : i32
    %dma_wait3A_150 = tpu.memref_slice %arg4[%dma_wait3A_148, %dma_wait3A_149] : memref<16x6400xf32, #tpu.memory_space<vmem>> -> memref<1x6400xf32, #tpu.memory_space<vmem>>
    %dma_wait3A_151 = tpu.memref_squeeze %dma_wait3A_150 : memref<1x6400xf32, #tpu.memory_space<vmem>> -> memref<6400xf32, #tpu.memory_space<vmem>>
    %dma_wait3A_152 = arith.constant 0 : i32
    %dma_wait3A_153 = tpu.memref_slice %arg4[%dma_wait3A_148, %dma_wait3A_152] : memref<16x6400xf32, #tpu.memory_space<vmem>> -> memref<1x6400xf32, #tpu.memory_space<vmem>>
    %dma_wait3A_154 = tpu.memref_squeeze %dma_wait3A_153 : memref<1x6400xf32, #tpu.memory_space<vmem>> -> memref<6400xf32, #tpu.memory_space<vmem>>
    tpu.wait_dma2 semaphore(%arg5 : memref<!tpu.dma_semaphore, #tpu.memory_space<semaphore_mem>>) src(%arg2 : memref<6400xf32, #tpu.memory_space<hbm>>) dst(%dma_wait3A_154 : memref<6400xf32, #tpu.memory_space<vmem>>)
    %dma_wait3A_155 = arith.constant 6 : i32
    %dma_wait3A_156 = arith.constant 0 : i32
    %dma_wait3A_157 = tpu.memref_slice %arg4[%dma_wait3A_155, %dma_wait3A_156] : memref<16x6400xf32, #tpu.memory_space<vmem>> -> memref<1x6400xf32, #tpu.memory_space<vmem>>
    %dma_wait3A_158 = tpu.memref_squeeze %dma_wait3A_157 : memref<1x6400xf32, #tpu.memory_space<vmem>> -> memref<6400xf32, #tpu.memory_space<vmem>>
    %dma_wait3A_159 = arith.constant 0 : i32
    %dma_wait3A_160 = tpu.memref_slice %arg4[%dma_wait3A_155, %dma_wait3A_159] : memref<16x6400xf32, #tpu.memory_space<vmem>> -> memref<1x6400xf32, #tpu.memory_space<vmem>>
    %dma_wait3A_161 = tpu.memref_squeeze %dma_wait3A_160 : memref<1x6400xf32, #tpu.memory_space<vmem>> -> memref<6400xf32, #tpu.memory_space<vmem>>
    tpu.wait_dma2 semaphore(%arg5 : memref<!tpu.dma_semaphore, #tpu.memory_space<semaphore_mem>>) src(%arg2 : memref<6400xf32, #tpu.memory_space<hbm>>) dst(%dma_wait3A_161 : memref<6400xf32, #tpu.memory_space<vmem>>)
    %dma_wait3A_162 = arith.constant 7 : i32
    %dma_wait3A_163 = arith.constant 0 : i32
    %dma_wait3A_164 = tpu.memref_slice %arg4[%dma_wait3A_162, %dma_wait3A_163] : memref<16x6400xf32, #tpu.memory_space<vmem>> -> memref<1x6400xf32, #tpu.memory_space<vmem>>
    %dma_wait3A_165 = tpu.memref_squeeze %dma_wait3A_164 : memref<1x6400xf32, #tpu.memory_space<vmem>> -> memref<6400xf32, #tpu.memory_space<vmem>>
    %dma_wait3A_166 = arith.constant 0 : i32
    %dma_wait3A_167 = tpu.memref_slice %arg4[%dma_wait3A_162, %dma_wait3A_166] : memref<16x6400xf32, #tpu.memory_space<vmem>> -> memref<1x6400xf32, #tpu.memory_space<vmem>>
    %dma_wait3A_168 = tpu.memref_squeeze %dma_wait3A_167 : memref<1x6400xf32, #tpu.memory_space<vmem>> -> memref<6400xf32, #tpu.memory_space<vmem>>
    tpu.wait_dma2 semaphore(%arg5 : memref<!tpu.dma_semaphore, #tpu.memory_space<semaphore_mem>>) src(%arg2 : memref<6400xf32, #tpu.memory_space<hbm>>) dst(%dma_wait3A_168 : memref<6400xf32, #tpu.memory_space<vmem>>)
    %dma_wait3A_169 = arith.constant 8 : i32
    %dma_wait3A_170 = arith.constant 0 : i32
    %dma_wait3A_171 = tpu.memref_slice %arg4[%dma_wait3A_169, %dma_wait3A_170] : memref<16x6400xf32, #tpu.memory_space<vmem>> -> memref<1x6400xf32, #tpu.memory_space<vmem>>
    %dma_wait3A_172 = tpu.memref_squeeze %dma_wait3A_171 : memref<1x6400xf32, #tpu.memory_space<vmem>> -> memref<6400xf32, #tpu.memory_space<vmem>>
    %dma_wait3A_173 = arith.constant 0 : i32
    %dma_wait3A_174 = tpu.memref_slice %arg4[%dma_wait3A_169, %dma_wait3A_173] : memref<16x6400xf32, #tpu.memory_space<vmem>> -> memref<1x6400xf32, #tpu.memory_space<vmem>>
    %dma_wait3A_175 = tpu.memref_squeeze %dma_wait3A_174 : memref<1x6400xf32, #tpu.memory_space<vmem>> -> memref<6400xf32, #tpu.memory_space<vmem>>
    tpu.wait_dma2 semaphore(%arg5 : memref<!tpu.dma_semaphore, #tpu.memory_space<semaphore_mem>>) src(%arg2 : memref<6400xf32, #tpu.memory_space<hbm>>) dst(%dma_wait3A_175 : memref<6400xf32, #tpu.memory_space<vmem>>)
    %dma_wait3A_176 = arith.constant 9 : i32
    %dma_wait3A_177 = arith.constant 0 : i32
    %dma_wait3A_178 = tpu.memref_slice %arg4[%dma_wait3A_176, %dma_wait3A_177] : memref<16x6400xf32, #tpu.memory_space<vmem>> -> memref<1x6400xf32, #tpu.memory_space<vmem>>
    %dma_wait3A_179 = tpu.memref_squeeze %dma_wait3A_178 : memref<1x6400xf32, #tpu.memory_space<vmem>> -> memref<6400xf32, #tpu.memory_space<vmem>>
    %dma_wait3A_180 = arith.constant 0 : i32
    %dma_wait3A_181 = tpu.memref_slice %arg4[%dma_wait3A_176, %dma_wait3A_180] : memref<16x6400xf32, #tpu.memory_space<vmem>> -> memref<1x6400xf32, #tpu.memory_space<vmem>>
    %dma_wait3A_182 = tpu.memref_squeeze %dma_wait3A_181 : memref<1x6400xf32, #tpu.memory_space<vmem>> -> memref<6400xf32, #tpu.memory_space<vmem>>
    tpu.wait_dma2 semaphore(%arg5 : memref<!tpu.dma_semaphore, #tpu.memory_space<semaphore_mem>>) src(%arg2 : memref<6400xf32, #tpu.memory_space<hbm>>) dst(%dma_wait3A_182 : memref<6400xf32, #tpu.memory_space<vmem>>)
    %dma_wait3A_183 = arith.constant 10 : i32
    %dma_wait3A_184 = arith.constant 0 : i32
    %dma_wait3A_185 = tpu.memref_slice %arg4[%dma_wait3A_183, %dma_wait3A_184] : memref<16x6400xf32, #tpu.memory_space<vmem>> -> memref<1x6400xf32, #tpu.memory_space<vmem>>
    %dma_wait3A_186 = tpu.memref_squeeze %dma_wait3A_185 : memref<1x6400xf32, #tpu.memory_space<vmem>> -> memref<6400xf32, #tpu.memory_space<vmem>>
    %dma_wait3A_187 = arith.constant 0 : i32
    %dma_wait3A_188 = tpu.memref_slice %arg4[%dma_wait3A_183, %dma_wait3A_187] : memref<16x6400xf32, #tpu.memory_space<vmem>> -> memref<1x6400xf32, #tpu.memory_space<vmem>>
    %dma_wait3A_189 = tpu.memref_squeeze %dma_wait3A_188 : memref<1x6400xf32, #tpu.memory_space<vmem>> -> memref<6400xf32, #tpu.memory_space<vmem>>
    tpu.wait_dma2 semaphore(%arg5 : memref<!tpu.dma_semaphore, #tpu.memory_space<semaphore_mem>>) src(%arg2 : memref<6400xf32, #tpu.memory_space<hbm>>) dst(%dma_wait3A_189 : memref<6400xf32, #tpu.memory_space<vmem>>)
    %dma_wait3A_190 = arith.constant 11 : i32
    %dma_wait3A_191 = arith.constant 0 : i32
    %dma_wait3A_192 = tpu.memref_slice %arg4[%dma_wait3A_190, %dma_wait3A_191] : memref<16x6400xf32, #tpu.memory_space<vmem>> -> memref<1x6400xf32, #tpu.memory_space<vmem>>
    %dma_wait3A_193 = tpu.memref_squeeze %dma_wait3A_192 : memref<1x6400xf32, #tpu.memory_space<vmem>> -> memref<6400xf32, #tpu.memory_space<vmem>>
    %dma_wait3A_194 = arith.constant 0 : i32
    %dma_wait3A_195 = tpu.memref_slice %arg4[%dma_wait3A_190, %dma_wait3A_194] : memref<16x6400xf32, #tpu.memory_space<vmem>> -> memref<1x6400xf32, #tpu.memory_space<vmem>>
    %dma_wait3A_196 = tpu.memref_squeeze %dma_wait3A_195 : memref<1x6400xf32, #tpu.memory_space<vmem>> -> memref<6400xf32, #tpu.memory_space<vmem>>
    tpu.wait_dma2 semaphore(%arg5 : memref<!tpu.dma_semaphore, #tpu.memory_space<semaphore_mem>>) src(%arg2 : memref<6400xf32, #tpu.memory_space<hbm>>) dst(%dma_wait3A_196 : memref<6400xf32, #tpu.memory_space<vmem>>)
    %dma_wait3A_197 = arith.constant 12 : i32
    %dma_wait3A_198 = arith.constant 0 : i32
    %dma_wait3A_199 = tpu.memref_slice %arg4[%dma_wait3A_197, %dma_wait3A_198] : memref<16x6400xf32, #tpu.memory_space<vmem>> -> memref<1x6400xf32, #tpu.memory_space<vmem>>
    %dma_wait3A_200 = tpu.memref_squeeze %dma_wait3A_199 : memref<1x6400xf32, #tpu.memory_space<vmem>> -> memref<6400xf32, #tpu.memory_space<vmem>>
    %dma_wait3A_201 = arith.constant 0 : i32
    %dma_wait3A_202 = tpu.memref_slice %arg4[%dma_wait3A_197, %dma_wait3A_201] : memref<16x6400xf32, #tpu.memory_space<vmem>> -> memref<1x6400xf32, #tpu.memory_space<vmem>>
    %dma_wait3A_203 = tpu.memref_squeeze %dma_wait3A_202 : memref<1x6400xf32, #tpu.memory_space<vmem>> -> memref<6400xf32, #tpu.memory_space<vmem>>
    tpu.wait_dma2 semaphore(%arg5 : memref<!tpu.dma_semaphore, #tpu.memory_space<semaphore_mem>>) src(%arg2 : memref<6400xf32, #tpu.memory_space<hbm>>) dst(%dma_wait3A_203 : memref<6400xf32, #tpu.memory_space<vmem>>)
    %dma_wait3A_204 = arith.constant 13 : i32
    %dma_wait3A_205 = arith.constant 0 : i32
    %dma_wait3A_206 = tpu.memref_slice %arg4[%dma_wait3A_204, %dma_wait3A_205] : memref<16x6400xf32, #tpu.memory_space<vmem>> -> memref<1x6400xf32, #tpu.memory_space<vmem>>
    %dma_wait3A_207 = tpu.memref_squeeze %dma_wait3A_206 : memref<1x6400xf32, #tpu.memory_space<vmem>> -> memref<6400xf32, #tpu.memory_space<vmem>>
    %dma_wait3A_208 = arith.constant 0 : i32
    %dma_wait3A_209 = tpu.memref_slice %arg4[%dma_wait3A_204, %dma_wait3A_208] : memref<16x6400xf32, #tpu.memory_space<vmem>> -> memref<1x6400xf32, #tpu.memory_space<vmem>>
    %dma_wait3A_210 = tpu.memref_squeeze %dma_wait3A_209 : memref<1x6400xf32, #tpu.memory_space<vmem>> -> memref<6400xf32, #tpu.memory_space<vmem>>
    tpu.wait_dma2 semaphore(%arg5 : memref<!tpu.dma_semaphore, #tpu.memory_space<semaphore_mem>>) src(%arg2 : memref<6400xf32, #tpu.memory_space<hbm>>) dst(%dma_wait3A_210 : memref<6400xf32, #tpu.memory_space<vmem>>)
    %dma_wait3A_211 = arith.constant 14 : i32
    %dma_wait3A_212 = arith.constant 0 : i32
    %dma_wait3A_213 = tpu.memref_slice %arg4[%dma_wait3A_211, %dma_wait3A_212] : memref<16x6400xf32, #tpu.memory_space<vmem>> -> memref<1x6400xf32, #tpu.memory_space<vmem>>
    %dma_wait3A_214 = tpu.memref_squeeze %dma_wait3A_213 : memref<1x6400xf32, #tpu.memory_space<vmem>> -> memref<6400xf32, #tpu.memory_space<vmem>>
    %dma_wait3A_215 = arith.constant 0 : i32
    %dma_wait3A_216 = tpu.memref_slice %arg4[%dma_wait3A_211, %dma_wait3A_215] : memref<16x6400xf32, #tpu.memory_space<vmem>> -> memref<1x6400xf32, #tpu.memory_space<vmem>>
    %dma_wait3A_217 = tpu.memref_squeeze %dma_wait3A_216 : memref<1x6400xf32, #tpu.memory_space<vmem>> -> memref<6400xf32, #tpu.memory_space<vmem>>
    tpu.wait_dma2 semaphore(%arg5 : memref<!tpu.dma_semaphore, #tpu.memory_space<semaphore_mem>>) src(%arg2 : memref<6400xf32, #tpu.memory_space<hbm>>) dst(%dma_wait3A_217 : memref<6400xf32, #tpu.memory_space<vmem>>)
    %dma_wait3A_218 = arith.constant 15 : i32
    %dma_wait3A_219 = arith.constant 0 : i32
    %dma_wait3A_220 = tpu.memref_slice %arg4[%dma_wait3A_218, %dma_wait3A_219] : memref<16x6400xf32, #tpu.memory_space<vmem>> -> memref<1x6400xf32, #tpu.memory_space<vmem>>
    %dma_wait3A_221 = tpu.memref_squeeze %dma_wait3A_220 : memref<1x6400xf32, #tpu.memory_space<vmem>> -> memref<6400xf32, #tpu.memory_space<vmem>>
    %dma_wait3A_222 = arith.constant 0 : i32
    %dma_wait3A_223 = tpu.memref_slice %arg4[%dma_wait3A_218, %dma_wait3A_222] : memref<16x6400xf32, #tpu.memory_space<vmem>> -> memref<1x6400xf32, #tpu.memory_space<vmem>>
    %dma_wait3A_224 = tpu.memref_squeeze %dma_wait3A_223 : memref<1x6400xf32, #tpu.memory_space<vmem>> -> memref<6400xf32, #tpu.memory_space<vmem>>
    tpu.wait_dma2 semaphore(%arg5 : memref<!tpu.dma_semaphore, #tpu.memory_space<semaphore_mem>>) src(%arg2 : memref<6400xf32, #tpu.memory_space<hbm>>) dst(%dma_wait3A_224 : memref<6400xf32, #tpu.memory_space<vmem>>)
    %add3A_225 = arith.constant 0 : i32
    %add3A_226 = arith.addi %mul3A_2, %add3A_225 : i32
    %dma_start3A_227 = arith.constant 0 : i32
    %dma_start3A_228 = tpu.memref_slice %arg3[%add3A_226, %dma_start3A_227] : memref<16384x6400xf32, #tpu.memory_space<hbm>> -> memref<16x6400xf32, #tpu.memory_space<hbm>>
    %dma_start3A_229 = arith.constant 0 : i32
    %dma_start3A_230 = tpu.memref_slice %arg3[%add3A_226, %dma_start3A_229] : memref<16384x6400xf32, #tpu.memory_space<hbm>> -> memref<16x6400xf32, #tpu.memory_space<hbm>>
    tpu.enqueue_dma source(%arg4 : memref<16x6400xf32, #tpu.memory_space<vmem>>) target(%dma_start3A_230 : memref<16x6400xf32, #tpu.memory_space<hbm>>) target_semaphore(%arg6 : memref<!tpu.dma_semaphore, #tpu.memory_space<semaphore_mem>>)
    %add3A_231 = arith.constant 16 : i32
    %add3A_232 = arith.addi %mul3A_2, %add3A_231 : i32
    %dma_start3A_233 = arith.constant 0 : i32
    %dma_start3A_234 = tpu.memref_slice %arg3[%add3A_232, %dma_start3A_233] : memref<16384x6400xf32, #tpu.memory_space<hbm>> -> memref<16x6400xf32, #tpu.memory_space<hbm>>
    %dma_start3A_235 = arith.constant 0 : i32
    %dma_start3A_236 = tpu.memref_slice %arg3[%add3A_232, %dma_start3A_235] : memref<16384x6400xf32, #tpu.memory_space<hbm>> -> memref<16x6400xf32, #tpu.memory_space<hbm>>
    tpu.enqueue_dma source(%arg4 : memref<16x6400xf32, #tpu.memory_space<vmem>>) target(%dma_start3A_236 : memref<16x6400xf32, #tpu.memory_space<hbm>>) target_semaphore(%arg6 : memref<!tpu.dma_semaphore, #tpu.memory_space<semaphore_mem>>)
    %add3A_237 = arith.constant 32 : i32
    %add3A_238 = arith.addi %mul3A_2, %add3A_237 : i32
    %dma_start3A_239 = arith.constant 0 : i32
    %dma_start3A_240 = tpu.memref_slice %arg3[%add3A_238, %dma_start3A_239] : memref<16384x6400xf32, #tpu.memory_space<hbm>> -> memref<16x6400xf32, #tpu.memory_space<hbm>>
    %dma_start3A_241 = arith.constant 0 : i32
    %dma_start3A_242 = tpu.memref_slice %arg3[%add3A_238, %dma_start3A_241] : memref<16384x6400xf32, #tpu.memory_space<hbm>> -> memref<16x6400xf32, #tpu.memory_space<hbm>>
    tpu.enqueue_dma source(%arg4 : memref<16x6400xf32, #tpu.memory_space<vmem>>) target(%dma_start3A_242 : memref<16x6400xf32, #tpu.memory_space<hbm>>) target_semaphore(%arg6 : memref<!tpu.dma_semaphore, #tpu.memory_space<semaphore_mem>>)
    %add3A_243 = arith.constant 48 : i32
    %add3A_244 = arith.addi %mul3A_2, %add3A_243 : i32
    %dma_start3A_245 = arith.constant 0 : i32
    %dma_start3A_246 = tpu.memref_slice %arg3[%add3A_244, %dma_start3A_245] : memref<16384x6400xf32, #tpu.memory_space<hbm>> -> memref<16x6400xf32, #tpu.memory_space<hbm>>
    %dma_start3A_247 = arith.constant 0 : i32
    %dma_start3A_248 = tpu.memref_slice %arg3[%add3A_244, %dma_start3A_247] : memref<16384x6400xf32, #tpu.memory_space<hbm>> -> memref<16x6400xf32, #tpu.memory_space<hbm>>
    tpu.enqueue_dma source(%arg4 : memref<16x6400xf32, #tpu.memory_space<vmem>>) target(%dma_start3A_248 : memref<16x6400xf32, #tpu.memory_space<hbm>>) target_semaphore(%arg6 : memref<!tpu.dma_semaphore, #tpu.memory_space<semaphore_mem>>)
    %add3A_249 = arith.constant 64 : i32
    %add3A_250 = arith.addi %mul3A_2, %add3A_249 : i32
    %dma_start3A_251 = arith.constant 0 : i32
    %dma_start3A_252 = tpu.memref_slice %arg3[%add3A_250, %dma_start3A_251] : memref<16384x6400xf32, #tpu.memory_space<hbm>> -> memref<16x6400xf32, #tpu.memory_space<hbm>>
    %dma_start3A_253 = arith.constant 0 : i32
    %dma_start3A_254 = tpu.memref_slice %arg3[%add3A_250, %dma_start3A_253] : memref<16384x6400xf32, #tpu.memory_space<hbm>> -> memref<16x6400xf32, #tpu.memory_space<hbm>>
    tpu.enqueue_dma source(%arg4 : memref<16x6400xf32, #tpu.memory_space<vmem>>) target(%dma_start3A_254 : memref<16x6400xf32, #tpu.memory_space<hbm>>) target_semaphore(%arg6 : memref<!tpu.dma_semaphore, #tpu.memory_space<semaphore_mem>>)
    %add3A_255 = arith.constant 80 : i32
    %add3A_256 = arith.addi %mul3A_2, %add3A_255 : i32
    %dma_start3A_257 = arith.constant 0 : i32
    %dma_start3A_258 = tpu.memref_slice %arg3[%add3A_256, %dma_start3A_257] : memref<16384x6400xf32, #tpu.memory_space<hbm>> -> memref<16x6400xf32, #tpu.memory_space<hbm>>
    %dma_start3A_259 = arith.constant 0 : i32
    %dma_start3A_260 = tpu.memref_slice %arg3[%add3A_256, %dma_start3A_259] : memref<16384x6400xf32, #tpu.memory_space<hbm>> -> memref<16x6400xf32, #tpu.memory_space<hbm>>
    tpu.enqueue_dma source(%arg4 : memref<16x6400xf32, #tpu.memory_space<vmem>>) target(%dma_start3A_260 : memref<16x6400xf32, #tpu.memory_space<hbm>>) target_semaphore(%arg6 : memref<!tpu.dma_semaphore, #tpu.memory_space<semaphore_mem>>)
    %add3A_261 = arith.constant 96 : i32
    %add3A_262 = arith.addi %mul3A_2, %add3A_261 : i32
    %dma_start3A_263 = arith.constant 0 : i32
    %dma_start3A_264 = tpu.memref_slice %arg3[%add3A_262, %dma_start3A_263] : memref<16384x6400xf32, #tpu.memory_space<hbm>> -> memref<16x6400xf32, #tpu.memory_space<hbm>>
    %dma_start3A_265 = arith.constant 0 : i32
    %dma_start3A_266 = tpu.memref_slice %arg3[%add3A_262, %dma_start3A_265] : memref<16384x6400xf32, #tpu.memory_space<hbm>> -> memref<16x6400xf32, #tpu.memory_space<hbm>>
    tpu.enqueue_dma source(%arg4 : memref<16x6400xf32, #tpu.memory_space<vmem>>) target(%dma_start3A_266 : memref<16x6400xf32, #tpu.memory_space<hbm>>) target_semaphore(%arg6 : memref<!tpu.dma_semaphore, #tpu.memory_space<semaphore_mem>>)
    %add3A_267 = arith.constant 112 : i32
    %add3A_268 = arith.addi %mul3A_2, %add3A_267 : i32
    %dma_start3A_269 = arith.constant 0 : i32
    %dma_start3A_270 = tpu.memref_slice %arg3[%add3A_268, %dma_start3A_269] : memref<16384x6400xf32, #tpu.memory_space<hbm>> -> memref<16x6400xf32, #tpu.memory_space<hbm>>
    %dma_start3A_271 = arith.constant 0 : i32
    %dma_start3A_272 = tpu.memref_slice %arg3[%add3A_268, %dma_start3A_271] : memref<16384x6400xf32, #tpu.memory_space<hbm>> -> memref<16x6400xf32, #tpu.memory_space<hbm>>
    tpu.enqueue_dma source(%arg4 : memref<16x6400xf32, #tpu.memory_space<vmem>>) target(%dma_start3A_272 : memref<16x6400xf32, #tpu.memory_space<hbm>>) target_semaphore(%arg6 : memref<!tpu.dma_semaphore, #tpu.memory_space<semaphore_mem>>)
    %dma_wait3A_273 = arith.constant 0 : i32
    %dma_wait3A_274 = tpu.memref_slice %arg3[%add3A_226, %dma_wait3A_273] : memref<16384x6400xf32, #tpu.memory_space<hbm>> -> memref<16x6400xf32, #tpu.memory_space<hbm>>
    %dma_wait3A_275 = arith.constant 0 : i32
    %dma_wait3A_276 = tpu.memref_slice %arg3[%add3A_226, %dma_wait3A_275] : memref<16384x6400xf32, #tpu.memory_space<hbm>> -> memref<16x6400xf32, #tpu.memory_space<hbm>>
    tpu.wait_dma2 semaphore(%arg6 : memref<!tpu.dma_semaphore, #tpu.memory_space<semaphore_mem>>) src(%arg4 : memref<16x6400xf32, #tpu.memory_space<vmem>>) dst(%dma_wait3A_276 : memref<16x6400xf32, #tpu.memory_space<hbm>>)
    %add3A_277 = arith.constant 128 : i32
    %add3A_278 = arith.addi %mul3A_2, %add3A_277 : i32
    %dma_start3A_279 = arith.constant 0 : i32
    %dma_start3A_280 = tpu.memref_slice %arg3[%add3A_278, %dma_start3A_279] : memref<16384x6400xf32, #tpu.memory_space<hbm>> -> memref<16x6400xf32, #tpu.memory_space<hbm>>
    %dma_start3A_281 = arith.constant 0 : i32
    %dma_start3A_282 = tpu.memref_slice %arg3[%add3A_278, %dma_start3A_281] : memref<16384x6400xf32, #tpu.memory_space<hbm>> -> memref<16x6400xf32, #tpu.memory_space<hbm>>
    tpu.enqueue_dma source(%arg4 : memref<16x6400xf32, #tpu.memory_space<vmem>>) target(%dma_start3A_282 : memref<16x6400xf32, #tpu.memory_space<hbm>>) target_semaphore(%arg6 : memref<!tpu.dma_semaphore, #tpu.memory_space<semaphore_mem>>)
    %dma_wait3A_283 = arith.constant 0 : i32
    %dma_wait3A_284 = tpu.memref_slice %arg3[%add3A_232, %dma_wait3A_283] : memref<16384x6400xf32, #tpu.memory_space<hbm>> -> memref<16x6400xf32, #tpu.memory_space<hbm>>
    %dma_wait3A_285 = arith.constant 0 : i32
    %dma_wait3A_286 = tpu.memref_slice %arg3[%add3A_232, %dma_wait3A_285] : memref<16384x6400xf32, #tpu.memory_space<hbm>> -> memref<16x6400xf32, #tpu.memory_space<hbm>>
    tpu.wait_dma2 semaphore(%arg6 : memref<!tpu.dma_semaphore, #tpu.memory_space<semaphore_mem>>) src(%arg4 : memref<16x6400xf32, #tpu.memory_space<vmem>>) dst(%dma_wait3A_286 : memref<16x6400xf32, #tpu.memory_space<hbm>>)
    %add3A_287 = arith.constant 144 : i32
    %add3A_288 = arith.addi %mul3A_2, %add3A_287 : i32
    %dma_start3A_289 = arith.constant 0 : i32
    %dma_start3A_290 = tpu.memref_slice %arg3[%add3A_288, %dma_start3A_289] : memref<16384x6400xf32, #tpu.memory_space<hbm>> -> memref<16x6400xf32, #tpu.memory_space<hbm>>
    %dma_start3A_291 = arith.constant 0 : i32
    %dma_start3A_292 = tpu.memref_slice %arg3[%add3A_288, %dma_start3A_291] : memref<16384x6400xf32, #tpu.memory_space<hbm>> -> memref<16x6400xf32, #tpu.memory_space<hbm>>
    tpu.enqueue_dma source(%arg4 : memref<16x6400xf32, #tpu.memory_space<vmem>>) target(%dma_start3A_292 : memref<16x6400xf32, #tpu.memory_space<hbm>>) target_semaphore(%arg6 : memref<!tpu.dma_semaphore, #tpu.memory_space<semaphore_mem>>)
    %dma_wait3A_293 = arith.constant 0 : i32
    %dma_wait3A_294 = tpu.memref_slice %arg3[%add3A_238, %dma_wait3A_293] : memref<16384x6400xf32, #tpu.memory_space<hbm>> -> memref<16x6400xf32, #tpu.memory_space<hbm>>
    %dma_wait3A_295 = arith.constant 0 : i32
    %dma_wait3A_296 = tpu.memref_slice %arg3[%add3A_238, %dma_wait3A_295] : memref<16384x6400xf32, #tpu.memory_space<hbm>> -> memref<16x6400xf32, #tpu.memory_space<hbm>>
    tpu.wait_dma2 semaphore(%arg6 : memref<!tpu.dma_semaphore, #tpu.memory_space<semaphore_mem>>) src(%arg4 : memref<16x6400xf32, #tpu.memory_space<vmem>>) dst(%dma_wait3A_296 : memref<16x6400xf32, #tpu.memory_space<hbm>>)
    %add3A_297 = arith.constant 160 : i32
    %add3A_298 = arith.addi %mul3A_2, %add3A_297 : i32
    %dma_start3A_299 = arith.constant 0 : i32
    %dma_start3A_300 = tpu.memref_slice %arg3[%add3A_298, %dma_start3A_299] : memref<16384x6400xf32, #tpu.memory_space<hbm>> -> memref<16x6400xf32, #tpu.memory_space<hbm>>
    %dma_start3A_301 = arith.constant 0 : i32
    %dma_start3A_302 = tpu.memref_slice %arg3[%add3A_298, %dma_start3A_301] : memref<16384x6400xf32, #tpu.memory_space<hbm>> -> memref<16x6400xf32, #tpu.memory_space<hbm>>
    tpu.enqueue_dma source(%arg4 : memref<16x6400xf32, #tpu.memory_space<vmem>>) target(%dma_start3A_302 : memref<16x6400xf32, #tpu.memory_space<hbm>>) target_semaphore(%arg6 : memref<!tpu.dma_semaphore, #tpu.memory_space<semaphore_mem>>)
    %dma_wait3A_303 = arith.constant 0 : i32
    %dma_wait3A_304 = tpu.memref_slice %arg3[%add3A_244, %dma_wait3A_303] : memref<16384x6400xf32, #tpu.memory_space<hbm>> -> memref<16x6400xf32, #tpu.memory_space<hbm>>
    %dma_wait3A_305 = arith.constant 0 : i32
    %dma_wait3A_306 = tpu.memref_slice %arg3[%add3A_244, %dma_wait3A_305] : memref<16384x6400xf32, #tpu.memory_space<hbm>> -> memref<16x6400xf32, #tpu.memory_space<hbm>>
    tpu.wait_dma2 semaphore(%arg6 : memref<!tpu.dma_semaphore, #tpu.memory_space<semaphore_mem>>) src(%arg4 : memref<16x6400xf32, #tpu.memory_space<vmem>>) dst(%dma_wait3A_306 : memref<16x6400xf32, #tpu.memory_space<hbm>>)
    %add3A_307 = arith.constant 176 : i32
    %add3A_308 = arith.addi %mul3A_2, %add3A_307 : i32
    %dma_start3A_309 = arith.constant 0 : i32
    %dma_start3A_310 = tpu.memref_slice %arg3[%add3A_308, %dma_start3A_309] : memref<16384x6400xf32, #tpu.memory_space<hbm>> -> memref<16x6400xf32, #tpu.memory_space<hbm>>
    %dma_start3A_311 = arith.constant 0 : i32
    %dma_start3A_312 = tpu.memref_slice %arg3[%add3A_308, %dma_start3A_311] : memref<16384x6400xf32, #tpu.memory_space<hbm>> -> memref<16x6400xf32, #tpu.memory_space<hbm>>
    tpu.enqueue_dma source(%arg4 : memref<16x6400xf32, #tpu.memory_space<vmem>>) target(%dma_start3A_312 : memref<16x6400xf32, #tpu.memory_space<hbm>>) target_semaphore(%arg6 : memref<!tpu.dma_semaphore, #tpu.memory_space<semaphore_mem>>)
    %dma_wait3A_313 = arith.constant 0 : i32
    %dma_wait3A_314 = tpu.memref_slice %arg3[%add3A_250, %dma_wait3A_313] : memref<16384x6400xf32, #tpu.memory_space<hbm>> -> memref<16x6400xf32, #tpu.memory_space<hbm>>
    %dma_wait3A_315 = arith.constant 0 : i32
    %dma_wait3A_316 = tpu.memref_slice %arg3[%add3A_250, %dma_wait3A_315] : memref<16384x6400xf32, #tpu.memory_space<hbm>> -> memref<16x6400xf32, #tpu.memory_space<hbm>>
    tpu.wait_dma2 semaphore(%arg6 : memref<!tpu.dma_semaphore, #tpu.memory_space<semaphore_mem>>) src(%arg4 : memref<16x6400xf32, #tpu.memory_space<vmem>>) dst(%dma_wait3A_316 : memref<16x6400xf32, #tpu.memory_space<hbm>>)
    %add3A_317 = arith.constant 192 : i32
    %add3A_318 = arith.addi %mul3A_2, %add3A_317 : i32
    %dma_start3A_319 = arith.constant 0 : i32
    %dma_start3A_320 = tpu.memref_slice %arg3[%add3A_318, %dma_start3A_319] : memref<16384x6400xf32, #tpu.memory_space<hbm>> -> memref<16x6400xf32, #tpu.memory_space<hbm>>
    %dma_start3A_321 = arith.constant 0 : i32
    %dma_start3A_322 = tpu.memref_slice %arg3[%add3A_318, %dma_start3A_321] : memref<16384x6400xf32, #tpu.memory_space<hbm>> -> memref<16x6400xf32, #tpu.memory_space<hbm>>
    tpu.enqueue_dma source(%arg4 : memref<16x6400xf32, #tpu.memory_space<vmem>>) target(%dma_start3A_322 : memref<16x6400xf32, #tpu.memory_space<hbm>>) target_semaphore(%arg6 : memref<!tpu.dma_semaphore, #tpu.memory_space<semaphore_mem>>)
    %dma_wait3A_323 = arith.constant 0 : i32
    %dma_wait3A_324 = tpu.memref_slice %arg3[%add3A_256, %dma_wait3A_323] : memref<16384x6400xf32, #tpu.memory_space<hbm>> -> memref<16x6400xf32, #tpu.memory_space<hbm>>
    %dma_wait3A_325 = arith.constant 0 : i32
    %dma_wait3A_326 = tpu.memref_slice %arg3[%add3A_256, %dma_wait3A_325] : memref<16384x6400xf32, #tpu.memory_space<hbm>> -> memref<16x6400xf32, #tpu.memory_space<hbm>>
    tpu.wait_dma2 semaphore(%arg6 : memref<!tpu.dma_semaphore, #tpu.memory_space<semaphore_mem>>) src(%arg4 : memref<16x6400xf32, #tpu.memory_space<vmem>>) dst(%dma_wait3A_326 : memref<16x6400xf32, #tpu.memory_space<hbm>>)
    %add3A_327 = arith.constant 208 : i32
    %add3A_328 = arith.addi %mul3A_2, %add3A_327 : i32
    %dma_start3A_329 = arith.constant 0 : i32
    %dma_start3A_330 = tpu.memref_slice %arg3[%add3A_328, %dma_start3A_329] : memref<16384x6400xf32, #tpu.memory_space<hbm>> -> memref<16x6400xf32, #tpu.memory_space<hbm>>
    %dma_start3A_331 = arith.constant 0 : i32
    %dma_start3A_332 = tpu.memref_slice %arg3[%add3A_328, %dma_start3A_331] : memref<16384x6400xf32, #tpu.memory_space<hbm>> -> memref<16x6400xf32, #tpu.memory_space<hbm>>
    tpu.enqueue_dma source(%arg4 : memref<16x6400xf32, #tpu.memory_space<vmem>>) target(%dma_start3A_332 : memref<16x6400xf32, #tpu.memory_space<hbm>>) target_semaphore(%arg6 : memref<!tpu.dma_semaphore, #tpu.memory_space<semaphore_mem>>)
    %dma_wait3A_333 = arith.constant 0 : i32
    %dma_wait3A_334 = tpu.memref_slice %arg3[%add3A_262, %dma_wait3A_333] : memref<16384x6400xf32, #tpu.memory_space<hbm>> -> memref<16x6400xf32, #tpu.memory_space<hbm>>
    %dma_wait3A_335 = arith.constant 0 : i32
    %dma_wait3A_336 = tpu.memref_slice %arg3[%add3A_262, %dma_wait3A_335] : memref<16384x6400xf32, #tpu.memory_space<hbm>> -> memref<16x6400xf32, #tpu.memory_space<hbm>>
    tpu.wait_dma2 semaphore(%arg6 : memref<!tpu.dma_semaphore, #tpu.memory_space<semaphore_mem>>) src(%arg4 : memref<16x6400xf32, #tpu.memory_space<vmem>>) dst(%dma_wait3A_336 : memref<16x6400xf32, #tpu.memory_space<hbm>>)
    %add3A_337 = arith.constant 224 : i32
    %add3A_338 = arith.addi %mul3A_2, %add3A_337 : i32
    %dma_start3A_339 = arith.constant 0 : i32
    %dma_start3A_340 = tpu.memref_slice %arg3[%add3A_338, %dma_start3A_339] : memref<16384x6400xf32, #tpu.memory_space<hbm>> -> memref<16x6400xf32, #tpu.memory_space<hbm>>
    %dma_start3A_341 = arith.constant 0 : i32
    %dma_start3A_342 = tpu.memref_slice %arg3[%add3A_338, %dma_start3A_341] : memref<16384x6400xf32, #tpu.memory_space<hbm>> -> memref<16x6400xf32, #tpu.memory_space<hbm>>
    tpu.enqueue_dma source(%arg4 : memref<16x6400xf32, #tpu.memory_space<vmem>>) target(%dma_start3A_342 : memref<16x6400xf32, #tpu.memory_space<hbm>>) target_semaphore(%arg6 : memref<!tpu.dma_semaphore, #tpu.memory_space<semaphore_mem>>)
    %dma_wait3A_343 = arith.constant 0 : i32
    %dma_wait3A_344 = tpu.memref_slice %arg3[%add3A_268, %dma_wait3A_343] : memref<16384x6400xf32, #tpu.memory_space<hbm>> -> memref<16x6400xf32, #tpu.memory_space<hbm>>
    %dma_wait3A_345 = arith.constant 0 : i32
    %dma_wait3A_346 = tpu.memref_slice %arg3[%add3A_268, %dma_wait3A_345] : memref<16384x6400xf32, #tpu.memory_space<hbm>> -> memref<16x6400xf32, #tpu.memory_space<hbm>>
    tpu.wait_dma2 semaphore(%arg6 : memref<!tpu.dma_semaphore, #tpu.memory_space<semaphore_mem>>) src(%arg4 : memref<16x6400xf32, #tpu.memory_space<vmem>>) dst(%dma_wait3A_346 : memref<16x6400xf32, #tpu.memory_space<hbm>>)
    %add3A_347 = arith.constant 240 : i32
    %add3A_348 = arith.addi %mul3A_2, %add3A_347 : i32
    %dma_start3A_349 = arith.constant 0 : i32
    %dma_start3A_350 = tpu.memref_slice %arg3[%add3A_348, %dma_start3A_349] : memref<16384x6400xf32, #tpu.memory_space<hbm>> -> memref<16x6400xf32, #tpu.memory_space<hbm>>
    %dma_start3A_351 = arith.constant 0 : i32
    %dma_start3A_352 = tpu.memref_slice %arg3[%add3A_348, %dma_start3A_351] : memref<16384x6400xf32, #tpu.memory_space<hbm>> -> memref<16x6400xf32, #tpu.memory_space<hbm>>
    tpu.enqueue_dma source(%arg4 : memref<16x6400xf32, #tpu.memory_space<vmem>>) target(%dma_start3A_352 : memref<16x6400xf32, #tpu.memory_space<hbm>>) target_semaphore(%arg6 : memref<!tpu.dma_semaphore, #tpu.memory_space<semaphore_mem>>)
    %dma_wait3A_353 = arith.constant 0 : i32
    %dma_wait3A_354 = tpu.memref_slice %arg3[%add3A_278, %dma_wait3A_353] : memref<16384x6400xf32, #tpu.memory_space<hbm>> -> memref<16x6400xf32, #tpu.memory_space<hbm>>
    %dma_wait3A_355 = arith.constant 0 : i32
    %dma_wait3A_356 = tpu.memref_slice %arg3[%add3A_278, %dma_wait3A_355] : memref<16384x6400xf32, #tpu.memory_space<hbm>> -> memref<16x6400xf32, #tpu.memory_space<hbm>>
    tpu.wait_dma2 semaphore(%arg6 : memref<!tpu.dma_semaphore, #tpu.memory_space<semaphore_mem>>) src(%arg4 : memref<16x6400xf32, #tpu.memory_space<vmem>>) dst(%dma_wait3A_356 : memref<16x6400xf32, #tpu.memory_space<hbm>>)
    %add3A_357 = arith.constant 256 : i32
    %add3A_358 = arith.addi %mul3A_2, %add3A_357 : i32
    %dma_start3A_359 = arith.constant 0 : i32
    %dma_start3A_360 = tpu.memref_slice %arg3[%add3A_358, %dma_start3A_359] : memref<16384x6400xf32, #tpu.memory_space<hbm>> -> memref<16x6400xf32, #tpu.memory_space<hbm>>
    %dma_start3A_361 = arith.constant 0 : i32
    %dma_start3A_362 = tpu.memref_slice %arg3[%add3A_358, %dma_start3A_361] : memref<16384x6400xf32, #tpu.memory_space<hbm>> -> memref<16x6400xf32, #tpu.memory_space<hbm>>
    tpu.enqueue_dma source(%arg4 : memref<16x6400xf32, #tpu.memory_space<vmem>>) target(%dma_start3A_362 : memref<16x6400xf32, #tpu.memory_space<hbm>>) target_semaphore(%arg6 : memref<!tpu.dma_semaphore, #tpu.memory_space<semaphore_mem>>)
    %dma_wait3A_363 = arith.constant 0 : i32
    %dma_wait3A_364 = tpu.memref_slice %arg3[%add3A_288, %dma_wait3A_363] : memref<16384x6400xf32, #tpu.memory_space<hbm>> -> memref<16x6400xf32, #tpu.memory_space<hbm>>
    %dma_wait3A_365 = arith.constant 0 : i32
    %dma_wait3A_366 = tpu.memref_slice %arg3[%add3A_288, %dma_wait3A_365] : memref<16384x6400xf32, #tpu.memory_space<hbm>> -> memref<16x6400xf32, #tpu.memory_space<hbm>>
    tpu.wait_dma2 semaphore(%arg6 : memref<!tpu.dma_semaphore, #tpu.memory_space<semaphore_mem>>) src(%arg4 : memref<16x6400xf32, #tpu.memory_space<vmem>>) dst(%dma_wait3A_366 : memref<16x6400xf32, #tpu.memory_space<hbm>>)
    %add3A_367 = arith.constant 272 : i32
    %add3A_368 = arith.addi %mul3A_2, %add3A_367 : i32
    %dma_start3A_369 = arith.constant 0 : i32
    %dma_start3A_370 = tpu.memref_slice %arg3[%add3A_368, %dma_start3A_369] : memref<16384x6400xf32, #tpu.memory_space<hbm>> -> memref<16x6400xf32, #tpu.memory_space<hbm>>
    %dma_start3A_371 = arith.constant 0 : i32
    %dma_start3A_372 = tpu.memref_slice %arg3[%add3A_368, %dma_start3A_371] : memref<16384x6400xf32, #tpu.memory_space<hbm>> -> memref<16x6400xf32, #tpu.memory_space<hbm>>
    tpu.enqueue_dma source(%arg4 : memref<16x6400xf32, #tpu.memory_space<vmem>>) target(%dma_start3A_372 : memref<16x6400xf32, #tpu.memory_space<hbm>>) target_semaphore(%arg6 : memref<!tpu.dma_semaphore, #tpu.memory_space<semaphore_mem>>)
    %dma_wait3A_373 = arith.constant 0 : i32
    %dma_wait3A_374 = tpu.memref_slice %arg3[%add3A_298, %dma_wait3A_373] : memref<16384x6400xf32, #tpu.memory_space<hbm>> -> memref<16x6400xf32, #tpu.memory_space<hbm>>
    %dma_wait3A_375 = arith.constant 0 : i32
    %dma_wait3A_376 = tpu.memref_slice %arg3[%add3A_298, %dma_wait3A_375] : memref<16384x6400xf32, #tpu.memory_space<hbm>> -> memref<16x6400xf32, #tpu.memory_space<hbm>>
    tpu.wait_dma2 semaphore(%arg6 : memref<!tpu.dma_semaphore, #tpu.memory_space<semaphore_mem>>) src(%arg4 : memref<16x6400xf32, #tpu.memory_space<vmem>>) dst(%dma_wait3A_376 : memref<16x6400xf32, #tpu.memory_space<hbm>>)
    %add3A_377 = arith.constant 288 : i32
    %add3A_378 = arith.addi %mul3A_2, %add3A_377 : i32
    %dma_start3A_379 = arith.constant 0 : i32
    %dma_start3A_380 = tpu.memref_slice %arg3[%add3A_378, %dma_start3A_379] : memref<16384x6400xf32, #tpu.memory_space<hbm>> -> memref<16x6400xf32, #tpu.memory_space<hbm>>
    %dma_start3A_381 = arith.constant 0 : i32
    %dma_start3A_382 = tpu.memref_slice %arg3[%add3A_378, %dma_start3A_381] : memref<16384x6400xf32, #tpu.memory_space<hbm>> -> memref<16x6400xf32, #tpu.memory_space<hbm>>
    tpu.enqueue_dma source(%arg4 : memref<16x6400xf32, #tpu.memory_space<vmem>>) target(%dma_start3A_382 : memref<16x6400xf32, #tpu.memory_space<hbm>>) target_semaphore(%arg6 : memref<!tpu.dma_semaphore, #tpu.memory_space<semaphore_mem>>)
    %dma_wait3A_383 = arith.constant 0 : i32
    %dma_wait3A_384 = tpu.memref_slice %arg3[%add3A_308, %dma_wait3A_383] : memref<16384x6400xf32, #tpu.memory_space<hbm>> -> memref<16x6400xf32, #tpu.memory_space<hbm>>
    %dma_wait3A_385 = arith.constant 0 : i32
    %dma_wait3A_386 = tpu.memref_slice %arg3[%add3A_308, %dma_wait3A_385] : memref<16384x6400xf32, #tpu.memory_space<hbm>> -> memref<16x6400xf32, #tpu.memory_space<hbm>>
    tpu.wait_dma2 semaphore(%arg6 : memref<!tpu.dma_semaphore, #tpu.memory_space<semaphore_mem>>) src(%arg4 : memref<16x6400xf32, #tpu.memory_space<vmem>>) dst(%dma_wait3A_386 : memref<16x6400xf32, #tpu.memory_space<hbm>>)
    %add3A_387 = arith.constant 304 : i32
    %add3A_388 = arith.addi %mul3A_2, %add3A_387 : i32
    %dma_start3A_389 = arith.constant 0 : i32
    %dma_start3A_390 = tpu.memref_slice %arg3[%add3A_388, %dma_start3A_389] : memref<16384x6400xf32, #tpu.memory_space<hbm>> -> memref<16x6400xf32, #tpu.memory_space<hbm>>
    %dma_start3A_391 = arith.constant 0 : i32
    %dma_start3A_392 = tpu.memref_slice %arg3[%add3A_388, %dma_start3A_391] : memref<16384x6400xf32, #tpu.memory_space<hbm>> -> memref<16x6400xf32, #tpu.memory_space<hbm>>
    tpu.enqueue_dma source(%arg4 : memref<16x6400xf32, #tpu.memory_space<vmem>>) target(%dma_start3A_392 : memref<16x6400xf32, #tpu.memory_space<hbm>>) target_semaphore(%arg6 : memref<!tpu.dma_semaphore, #tpu.memory_space<semaphore_mem>>)
    %dma_wait3A_393 = arith.constant 0 : i32
    %dma_wait3A_394 = tpu.memref_slice %arg3[%add3A_318, %dma_wait3A_393] : memref<16384x6400xf32, #tpu.memory_space<hbm>> -> memref<16x6400xf32, #tpu.memory_space<hbm>>
    %dma_wait3A_395 = arith.constant 0 : i32
    %dma_wait3A_396 = tpu.memref_slice %arg3[%add3A_318, %dma_wait3A_395] : memref<16384x6400xf32, #tpu.memory_space<hbm>> -> memref<16x6400xf32, #tpu.memory_space<hbm>>
    tpu.wait_dma2 semaphore(%arg6 : memref<!tpu.dma_semaphore, #tpu.memory_space<semaphore_mem>>) src(%arg4 : memref<16x6400xf32, #tpu.memory_space<vmem>>) dst(%dma_wait3A_396 : memref<16x6400xf32, #tpu.memory_space<hbm>>)
    %add3A_397 = arith.constant 320 : i32
    %add3A_398 = arith.addi %mul3A_2, %add3A_397 : i32
    %dma_start3A_399 = arith.constant 0 : i32
    %dma_start3A_400 = tpu.memref_slice %arg3[%add3A_398, %dma_start3A_399] : memref<16384x6400xf32, #tpu.memory_space<hbm>> -> memref<16x6400xf32, #tpu.memory_space<hbm>>
    %dma_start3A_401 = arith.constant 0 : i32
    %dma_start3A_402 = tpu.memref_slice %arg3[%add3A_398, %dma_start3A_401] : memref<16384x6400xf32, #tpu.memory_space<hbm>> -> memref<16x6400xf32, #tpu.memory_space<hbm>>
    tpu.enqueue_dma source(%arg4 : memref<16x6400xf32, #tpu.memory_space<vmem>>) target(%dma_start3A_402 : memref<16x6400xf32, #tpu.memory_space<hbm>>) target_semaphore(%arg6 : memref<!tpu.dma_semaphore, #tpu.memory_space<semaphore_mem>>)
    %dma_wait3A_403 = arith.constant 0 : i32
    %dma_wait3A_404 = tpu.memref_slice %arg3[%add3A_328, %dma_wait3A_403] : memref<16384x6400xf32, #tpu.memory_space<hbm>> -> memref<16x6400xf32, #tpu.memory_space<hbm>>
    %dma_wait3A_405 = arith.constant 0 : i32
    %dma_wait3A_406 = tpu.memref_slice %arg3[%add3A_328, %dma_wait3A_405] : memref<16384x6400xf32, #tpu.memory_space<hbm>> -> memref<16x6400xf32, #tpu.memory_space<hbm>>
    tpu.wait_dma2 semaphore(%arg6 : memref<!tpu.dma_semaphore, #tpu.memory_space<semaphore_mem>>) src(%arg4 : memref<16x6400xf32, #tpu.memory_space<vmem>>) dst(%dma_wait3A_406 : memref<16x6400xf32, #tpu.memory_space<hbm>>)
    %add3A_407 = arith.constant 336 : i32
    %add3A_408 = arith.addi %mul3A_2, %add3A_407 : i32
    %dma_start3A_409 = arith.constant 0 : i32
    %dma_start3A_410 = tpu.memref_slice %arg3[%add3A_408, %dma_start3A_409] : memref<16384x6400xf32, #tpu.memory_space<hbm>> -> memref<16x6400xf32, #tpu.memory_space<hbm>>
    %dma_start3A_411 = arith.constant 0 : i32
    %dma_start3A_412 = tpu.memref_slice %arg3[%add3A_408, %dma_start3A_411] : memref<16384x6400xf32, #tpu.memory_space<hbm>> -> memref<16x6400xf32, #tpu.memory_space<hbm>>
    tpu.enqueue_dma source(%arg4 : memref<16x6400xf32, #tpu.memory_space<vmem>>) target(%dma_start3A_412 : memref<16x6400xf32, #tpu.memory_space<hbm>>) target_semaphore(%arg6 : memref<!tpu.dma_semaphore, #tpu.memory_space<semaphore_mem>>)
    %dma_wait3A_413 = arith.constant 0 : i32
    %dma_wait3A_414 = tpu.memref_slice %arg3[%add3A_338, %dma_wait3A_413] : memref<16384x6400xf32, #tpu.memory_space<hbm>> -> memref<16x6400xf32, #tpu.memory_space<hbm>>
    %dma_wait3A_415 = arith.constant 0 : i32
    %dma_wait3A_416 = tpu.memref_slice %arg3[%add3A_338, %dma_wait3A_415] : memref<16384x6400xf32, #tpu.memory_space<hbm>> -> memref<16x6400xf32, #tpu.memory_space<hbm>>
    tpu.wait_dma2 semaphore(%arg6 : memref<!tpu.dma_semaphore, #tpu.memory_space<semaphore_mem>>) src(%arg4 : memref<16x6400xf32, #tpu.memory_space<vmem>>) dst(%dma_wait3A_416 : memref<16x6400xf32, #tpu.memory_space<hbm>>)
    %add3A_417 = arith.constant 352 : i32
    %add3A_418 = arith.addi %mul3A_2, %add3A_417 : i32
    %dma_start3A_419 = arith.constant 0 : i32
    %dma_start3A_420 = tpu.memref_slice %arg3[%add3A_418, %dma_start3A_419] : memref<16384x6400xf32, #tpu.memory_space<hbm>> -> memref<16x6400xf32, #tpu.memory_space<hbm>>
    %dma_start3A_421 = arith.constant 0 : i32
    %dma_start3A_422 = tpu.memref_slice %arg3[%add3A_418, %dma_start3A_421] : memref<16384x6400xf32, #tpu.memory_space<hbm>> -> memref<16x6400xf32, #tpu.memory_space<hbm>>
    tpu.enqueue_dma source(%arg4 : memref<16x6400xf32, #tpu.memory_space<vmem>>) target(%dma_start3A_422 : memref<16x6400xf32, #tpu.memory_space<hbm>>) target_semaphore(%arg6 : memref<!tpu.dma_semaphore, #tpu.memory_space<semaphore_mem>>)
    %dma_wait3A_423 = arith.constant 0 : i32
    %dma_wait3A_424 = tpu.memref_slice %arg3[%add3A_348, %dma_wait3A_423] : memref<16384x6400xf32, #tpu.memory_space<hbm>> -> memref<16x6400xf32, #tpu.memory_space<hbm>>
    %dma_wait3A_425 = arith.constant 0 : i32
    %dma_wait3A_426 = tpu.memref_slice %arg3[%add3A_348, %dma_wait3A_425] : memref<16384x6400xf32, #tpu.memory_space<hbm>> -> memref<16x6400xf32, #tpu.memory_space<hbm>>
    tpu.wait_dma2 semaphore(%arg6 : memref<!tpu.dma_semaphore, #tpu.memory_space<semaphore_mem>>) src(%arg4 : memref<16x6400xf32, #tpu.memory_space<vmem>>) dst(%dma_wait3A_426 : memref<16x6400xf32, #tpu.memory_space<hbm>>)
    %add3A_427 = arith.constant 368 : i32
    %add3A_428 = arith.addi %mul3A_2, %add3A_427 : i32
    %dma_start3A_429 = arith.constant 0 : i32
    %dma_start3A_430 = tpu.memref_slice %arg3[%add3A_428, %dma_start3A_429] : memref<16384x6400xf32, #tpu.memory_space<hbm>> -> memref<16x6400xf32, #tpu.memory_space<hbm>>
    %dma_start3A_431 = arith.constant 0 : i32
    %dma_start3A_432 = tpu.memref_slice %arg3[%add3A_428, %dma_start3A_431] : memref<16384x6400xf32, #tpu.memory_space<hbm>> -> memref<16x6400xf32, #tpu.memory_space<hbm>>
    tpu.enqueue_dma source(%arg4 : memref<16x6400xf32, #tpu.memory_space<vmem>>) target(%dma_start3A_432 : memref<16x6400xf32, #tpu.memory_space<hbm>>) target_semaphore(%arg6 : memref<!tpu.dma_semaphore, #tpu.memory_space<semaphore_mem>>)
    %dma_wait3A_433 = arith.constant 0 : i32
    %dma_wait3A_434 = tpu.memref_slice %arg3[%add3A_358, %dma_wait3A_433] : memref<16384x6400xf32, #tpu.memory_space<hbm>> -> memref<16x6400xf32, #tpu.memory_space<hbm>>
    %dma_wait3A_435 = arith.constant 0 : i32
    %dma_wait3A_436 = tpu.memref_slice %arg3[%add3A_358, %dma_wait3A_435] : memref<16384x6400xf32, #tpu.memory_space<hbm>> -> memref<16x6400xf32, #tpu.memory_space<hbm>>
    tpu.wait_dma2 semaphore(%arg6 : memref<!tpu.dma_semaphore, #tpu.memory_space<semaphore_mem>>) src(%arg4 : memref<16x6400xf32, #tpu.memory_space<vmem>>) dst(%dma_wait3A_436 : memref<16x6400xf32, #tpu.memory_space<hbm>>)
    %add3A_437 = arith.constant 384 : i32
    %add3A_438 = arith.addi %mul3A_2, %add3A_437 : i32
    %dma_start3A_439 = arith.constant 0 : i32
    %dma_start3A_440 = tpu.memref_slice %arg3[%add3A_438, %dma_start3A_439] : memref<16384x6400xf32, #tpu.memory_space<hbm>> -> memref<16x6400xf32, #tpu.memory_space<hbm>>
    %dma_start3A_441 = arith.constant 0 : i32
    %dma_start3A_442 = tpu.memref_slice %arg3[%add3A_438, %dma_start3A_441] : memref<16384x6400xf32, #tpu.memory_space<hbm>> -> memref<16x6400xf32, #tpu.memory_space<hbm>>
    tpu.enqueue_dma source(%arg4 : memref<16x6400xf32, #tpu.memory_space<vmem>>) target(%dma_start3A_442 : memref<16x6400xf32, #tpu.memory_space<hbm>>) target_semaphore(%arg6 : memref<!tpu.dma_semaphore, #tpu.memory_space<semaphore_mem>>)
    %dma_wait3A_443 = arith.constant 0 : i32
    %dma_wait3A_444 = tpu.memref_slice %arg3[%add3A_368, %dma_wait3A_443] : memref<16384x6400xf32, #tpu.memory_space<hbm>> -> memref<16x6400xf32, #tpu.memory_space<hbm>>
    %dma_wait3A_445 = arith.constant 0 : i32
    %dma_wait3A_446 = tpu.memref_slice %arg3[%add3A_368, %dma_wait3A_445] : memref<16384x6400xf32, #tpu.memory_space<hbm>> -> memref<16x6400xf32, #tpu.memory_space<hbm>>
    tpu.wait_dma2 semaphore(%arg6 : memref<!tpu.dma_semaphore, #tpu.memory_space<semaphore_mem>>) src(%arg4 : memref<16x6400xf32, #tpu.memory_space<vmem>>) dst(%dma_wait3A_446 : memref<16x6400xf32, #tpu.memory_space<hbm>>)
    %add3A_447 = arith.constant 400 : i32
    %add3A_448 = arith.addi %mul3A_2, %add3A_447 : i32
    %dma_start3A_449 = arith.constant 0 : i32
    %dma_start3A_450 = tpu.memref_slice %arg3[%add3A_448, %dma_start3A_449] : memref<16384x6400xf32, #tpu.memory_space<hbm>> -> memref<16x6400xf32, #tpu.memory_space<hbm>>
    %dma_start3A_451 = arith.constant 0 : i32
    %dma_start3A_452 = tpu.memref_slice %arg3[%add3A_448, %dma_start3A_451] : memref<16384x6400xf32, #tpu.memory_space<hbm>> -> memref<16x6400xf32, #tpu.memory_space<hbm>>
    tpu.enqueue_dma source(%arg4 : memref<16x6400xf32, #tpu.memory_space<vmem>>) target(%dma_start3A_452 : memref<16x6400xf32, #tpu.memory_space<hbm>>) target_semaphore(%arg6 : memref<!tpu.dma_semaphore, #tpu.memory_space<semaphore_mem>>)
    %dma_wait3A_453 = arith.constant 0 : i32
    %dma_wait3A_454 = tpu.memref_slice %arg3[%add3A_378, %dma_wait3A_453] : memref<16384x6400xf32, #tpu.memory_space<hbm>> -> memref<16x6400xf32, #tpu.memory_space<hbm>>
    %dma_wait3A_455 = arith.constant 0 : i32
    %dma_wait3A_456 = tpu.memref_slice %arg3[%add3A_378, %dma_wait3A_455] : memref<16384x6400xf32, #tpu.memory_space<hbm>> -> memref<16x6400xf32, #tpu.memory_space<hbm>>
    tpu.wait_dma2 semaphore(%arg6 : memref<!tpu.dma_semaphore, #tpu.memory_space<semaphore_mem>>) src(%arg4 : memref<16x6400xf32, #tpu.memory_space<vmem>>) dst(%dma_wait3A_456 : memref<16x6400xf32, #tpu.memory_space<hbm>>)
    %add3A_457 = arith.constant 416 : i32
    %add3A_458 = arith.addi %mul3A_2, %add3A_457 : i32
    %dma_start3A_459 = arith.constant 0 : i32
    %dma_start3A_460 = tpu.memref_slice %arg3[%add3A_458, %dma_start3A_459] : memref<16384x6400xf32, #tpu.memory_space<hbm>> -> memref<16x6400xf32, #tpu.memory_space<hbm>>
    %dma_start3A_461 = arith.constant 0 : i32
    %dma_start3A_462 = tpu.memref_slice %arg3[%add3A_458, %dma_start3A_461] : memref<16384x6400xf32, #tpu.memory_space<hbm>> -> memref<16x6400xf32, #tpu.memory_space<hbm>>
    tpu.enqueue_dma source(%arg4 : memref<16x6400xf32, #tpu.memory_space<vmem>>) target(%dma_start3A_462 : memref<16x6400xf32, #tpu.memory_space<hbm>>) target_semaphore(%arg6 : memref<!tpu.dma_semaphore, #tpu.memory_space<semaphore_mem>>)
    %dma_wait3A_463 = arith.constant 0 : i32
    %dma_wait3A_464 = tpu.memref_slice %arg3[%add3A_388, %dma_wait3A_463] : memref<16384x6400xf32, #tpu.memory_space<hbm>> -> memref<16x6400xf32, #tpu.memory_space<hbm>>
    %dma_wait3A_465 = arith.constant 0 : i32
    %dma_wait3A_466 = tpu.memref_slice %arg3[%add3A_388, %dma_wait3A_465] : memref<16384x6400xf32, #tpu.memory_space<hbm>> -> memref<16x6400xf32, #tpu.memory_space<hbm>>
    tpu.wait_dma2 semaphore(%arg6 : memref<!tpu.dma_semaphore, #tpu.memory_space<semaphore_mem>>) src(%arg4 : memref<16x6400xf32, #tpu.memory_space<vmem>>) dst(%dma_wait3A_466 : memref<16x6400xf32, #tpu.memory_space<hbm>>)
    %add3A_467 = arith.constant 432 : i32
    %add3A_468 = arith.addi %mul3A_2, %add3A_467 : i32
    %dma_start3A_469 = arith.constant 0 : i32
    %dma_start3A_470 = tpu.memref_slice %arg3[%add3A_468, %dma_start3A_469] : memref<16384x6400xf32, #tpu.memory_space<hbm>> -> memref<16x6400xf32, #tpu.memory_space<hbm>>
    %dma_start3A_471 = arith.constant 0 : i32
    %dma_start3A_472 = tpu.memref_slice %arg3[%add3A_468, %dma_start3A_471] : memref<16384x6400xf32, #tpu.memory_space<hbm>> -> memref<16x6400xf32, #tpu.memory_space<hbm>>
    tpu.enqueue_dma source(%arg4 : memref<16x6400xf32, #tpu.memory_space<vmem>>) target(%dma_start3A_472 : memref<16x6400xf32, #tpu.memory_space<hbm>>) target_semaphore(%arg6 : memref<!tpu.dma_semaphore, #tpu.memory_space<semaphore_mem>>)
    %dma_wait3A_473 = arith.constant 0 : i32
    %dma_wait3A_474 = tpu.memref_slice %arg3[%add3A_398, %dma_wait3A_473] : memref<16384x6400xf32, #tpu.memory_space<hbm>> -> memref<16x6400xf32, #tpu.memory_space<hbm>>
    %dma_wait3A_475 = arith.constant 0 : i32
    %dma_wait3A_476 = tpu.memref_slice %arg3[%add3A_398, %dma_wait3A_475] : memref<16384x6400xf32, #tpu.memory_space<hbm>> -> memref<16x6400xf32, #tpu.memory_space<hbm>>
    tpu.wait_dma2 semaphore(%arg6 : memref<!tpu.dma_semaphore, #tpu.memory_space<semaphore_mem>>) src(%arg4 : memref<16x6400xf32, #tpu.memory_space<vmem>>) dst(%dma_wait3A_476 : memref<16x6400xf32, #tpu.memory_space<hbm>>)
    %add3A_477 = arith.constant 448 : i32
    %add3A_478 = arith.addi %mul3A_2, %add3A_477 : i32
    %dma_start3A_479 = arith.constant 0 : i32
    %dma_start3A_480 = tpu.memref_slice %arg3[%add3A_478, %dma_start3A_479] : memref<16384x6400xf32, #tpu.memory_space<hbm>> -> memref<16x6400xf32, #tpu.memory_space<hbm>>
    %dma_start3A_481 = arith.constant 0 : i32
    %dma_start3A_482 = tpu.memref_slice %arg3[%add3A_478, %dma_start3A_481] : memref<16384x6400xf32, #tpu.memory_space<hbm>> -> memref<16x6400xf32, #tpu.memory_space<hbm>>
    tpu.enqueue_dma source(%arg4 : memref<16x6400xf32, #tpu.memory_space<vmem>>) target(%dma_start3A_482 : memref<16x6400xf32, #tpu.memory_space<hbm>>) target_semaphore(%arg6 : memref<!tpu.dma_semaphore, #tpu.memory_space<semaphore_mem>>)
    %dma_wait3A_483 = arith.constant 0 : i32
    %dma_wait3A_484 = tpu.memref_slice %arg3[%add3A_408, %dma_wait3A_483] : memref<16384x6400xf32, #tpu.memory_space<hbm>> -> memref<16x6400xf32, #tpu.memory_space<hbm>>
    %dma_wait3A_485 = arith.constant 0 : i32
    %dma_wait3A_486 = tpu.memref_slice %arg3[%add3A_408, %dma_wait3A_485] : memref<16384x6400xf32, #tpu.memory_space<hbm>> -> memref<16x6400xf32, #tpu.memory_space<hbm>>
    tpu.wait_dma2 semaphore(%arg6 : memref<!tpu.dma_semaphore, #tpu.memory_space<semaphore_mem>>) src(%arg4 : memref<16x6400xf32, #tpu.memory_space<vmem>>) dst(%dma_wait3A_486 : memref<16x6400xf32, #tpu.memory_space<hbm>>)
    %add3A_487 = arith.constant 464 : i32
    %add3A_488 = arith.addi %mul3A_2, %add3A_487 : i32
    %dma_start3A_489 = arith.constant 0 : i32
    %dma_start3A_490 = tpu.memref_slice %arg3[%add3A_488, %dma_start3A_489] : memref<16384x6400xf32, #tpu.memory_space<hbm>> -> memref<16x6400xf32, #tpu.memory_space<hbm>>
    %dma_start3A_491 = arith.constant 0 : i32
    %dma_start3A_492 = tpu.memref_slice %arg3[%add3A_488, %dma_start3A_491] : memref<16384x6400xf32, #tpu.memory_space<hbm>> -> memref<16x6400xf32, #tpu.memory_space<hbm>>
    tpu.enqueue_dma source(%arg4 : memref<16x6400xf32, #tpu.memory_space<vmem>>) target(%dma_start3A_492 : memref<16x6400xf32, #tpu.memory_space<hbm>>) target_semaphore(%arg6 : memref<!tpu.dma_semaphore, #tpu.memory_space<semaphore_mem>>)
    %dma_wait3A_493 = arith.constant 0 : i32
    %dma_wait3A_494 = tpu.memref_slice %arg3[%add3A_418, %dma_wait3A_493] : memref<16384x6400xf32, #tpu.memory_space<hbm>> -> memref<16x6400xf32, #tpu.memory_space<hbm>>
    %dma_wait3A_495 = arith.constant 0 : i32
    %dma_wait3A_496 = tpu.memref_slice %arg3[%add3A_418, %dma_wait3A_495] : memref<16384x6400xf32, #tpu.memory_space<hbm>> -> memref<16x6400xf32, #tpu.memory_space<hbm>>
    tpu.wait_dma2 semaphore(%arg6 : memref<!tpu.dma_semaphore, #tpu.memory_space<semaphore_mem>>) src(%arg4 : memref<16x6400xf32, #tpu.memory_space<vmem>>) dst(%dma_wait3A_496 : memref<16x6400xf32, #tpu.memory_space<hbm>>)
    %add3A_497 = arith.constant 480 : i32
    %add3A_498 = arith.addi %mul3A_2, %add3A_497 : i32
    %dma_start3A_499 = arith.constant 0 : i32
    %dma_start3A_500 = tpu.memref_slice %arg3[%add3A_498, %dma_start3A_499] : memref<16384x6400xf32, #tpu.memory_space<hbm>> -> memref<16x6400xf32, #tpu.memory_space<hbm>>
    %dma_start3A_501 = arith.constant 0 : i32
    %dma_start3A_502 = tpu.memref_slice %arg3[%add3A_498, %dma_start3A_501] : memref<16384x6400xf32, #tpu.memory_space<hbm>> -> memref<16x6400xf32, #tpu.memory_space<hbm>>
    tpu.enqueue_dma source(%arg4 : memref<16x6400xf32, #tpu.memory_space<vmem>>) target(%dma_start3A_502 : memref<16x6400xf32, #tpu.memory_space<hbm>>) target_semaphore(%arg6 : memref<!tpu.dma_semaphore, #tpu.memory_space<semaphore_mem>>)
    %dma_wait3A_503 = arith.constant 0 : i32
    %dma_wait3A_504 = tpu.memref_slice %arg3[%add3A_428, %dma_wait3A_503] : memref<16384x6400xf32, #tpu.memory_space<hbm>> -> memref<16x6400xf32, #tpu.memory_space<hbm>>
    %dma_wait3A_505 = arith.constant 0 : i32
    %dma_wait3A_506 = tpu.memref_slice %arg3[%add3A_428, %dma_wait3A_505] : memref<16384x6400xf32, #tpu.memory_space<hbm>> -> memref<16x6400xf32, #tpu.memory_space<hbm>>
    tpu.wait_dma2 semaphore(%arg6 : memref<!tpu.dma_semaphore, #tpu.memory_space<semaphore_mem>>) src(%arg4 : memref<16x6400xf32, #tpu.memory_space<vmem>>) dst(%dma_wait3A_506 : memref<16x6400xf32, #tpu.memory_space<hbm>>)
    %add3A_507 = arith.constant 496 : i32
    %add3A_508 = arith.addi %mul3A_2, %add3A_507 : i32
    %dma_start3A_509 = arith.constant 0 : i32
    %dma_start3A_510 = tpu.memref_slice %arg3[%add3A_508, %dma_start3A_509] : memref<16384x6400xf32, #tpu.memory_space<hbm>> -> memref<16x6400xf32, #tpu.memory_space<hbm>>
    %dma_start3A_511 = arith.constant 0 : i32
    %dma_start3A_512 = tpu.memref_slice %arg3[%add3A_508, %dma_start3A_511] : memref<16384x6400xf32, #tpu.memory_space<hbm>> -> memref<16x6400xf32, #tpu.memory_space<hbm>>
    tpu.enqueue_dma source(%arg4 : memref<16x6400xf32, #tpu.memory_space<vmem>>) target(%dma_start3A_512 : memref<16x6400xf32, #tpu.memory_space<hbm>>) target_semaphore(%arg6 : memref<!tpu.dma_semaphore, #tpu.memory_space<semaphore_mem>>)
    %dma_wait3A_513 = arith.constant 0 : i32
    %dma_wait3A_514 = tpu.memref_slice %arg3[%add3A_438, %dma_wait3A_513] : memref<16384x6400xf32, #tpu.memory_space<hbm>> -> memref<16x6400xf32, #tpu.memory_space<hbm>>
    %dma_wait3A_515 = arith.constant 0 : i32
    %dma_wait3A_516 = tpu.memref_slice %arg3[%add3A_438, %dma_wait3A_515] : memref<16384x6400xf32, #tpu.memory_space<hbm>> -> memref<16x6400xf32, #tpu.memory_space<hbm>>
    tpu.wait_dma2 semaphore(%arg6 : memref<!tpu.dma_semaphore, #tpu.memory_space<semaphore_mem>>) src(%arg4 : memref<16x6400xf32, #tpu.memory_space<vmem>>) dst(%dma_wait3A_516 : memref<16x6400xf32, #tpu.memory_space<hbm>>)
    %dma_wait3A_517 = arith.constant 0 : i32
    %dma_wait3A_518 = tpu.memref_slice %arg3[%add3A_448, %dma_wait3A_517] : memref<16384x6400xf32, #tpu.memory_space<hbm>> -> memref<16x6400xf32, #tpu.memory_space<hbm>>
    %dma_wait3A_519 = arith.constant 0 : i32
    %dma_wait3A_520 = tpu.memref_slice %arg3[%add3A_448, %dma_wait3A_519] : memref<16384x6400xf32, #tpu.memory_space<hbm>> -> memref<16x6400xf32, #tpu.memory_space<hbm>>
    tpu.wait_dma2 semaphore(%arg6 : memref<!tpu.dma_semaphore, #tpu.memory_space<semaphore_mem>>) src(%arg4 : memref<16x6400xf32, #tpu.memory_space<vmem>>) dst(%dma_wait3A_520 : memref<16x6400xf32, #tpu.memory_space<hbm>>)
    %dma_wait3A_521 = arith.constant 0 : i32
    %dma_wait3A_522 = tpu.memref_slice %arg3[%add3A_458, %dma_wait3A_521] : memref<16384x6400xf32, #tpu.memory_space<hbm>> -> memref<16x6400xf32, #tpu.memory_space<hbm>>
    %dma_wait3A_523 = arith.constant 0 : i32
    %dma_wait3A_524 = tpu.memref_slice %arg3[%add3A_458, %dma_wait3A_523] : memref<16384x6400xf32, #tpu.memory_space<hbm>> -> memref<16x6400xf32, #tpu.memory_space<hbm>>
    tpu.wait_dma2 semaphore(%arg6 : memref<!tpu.dma_semaphore, #tpu.memory_space<semaphore_mem>>) src(%arg4 : memref<16x6400xf32, #tpu.memory_space<vmem>>) dst(%dma_wait3A_524 : memref<16x6400xf32, #tpu.memory_space<hbm>>)
    %dma_wait3A_525 = arith.constant 0 : i32
    %dma_wait3A_526 = tpu.memref_slice %arg3[%add3A_468, %dma_wait3A_525] : memref<16384x6400xf32, #tpu.memory_space<hbm>> -> memref<16x6400xf32, #tpu.memory_space<hbm>>
    %dma_wait3A_527 = arith.constant 0 : i32
    %dma_wait3A_528 = tpu.memref_slice %arg3[%add3A_468, %dma_wait3A_527] : memref<16384x6400xf32, #tpu.memory_space<hbm>> -> memref<16x6400xf32, #tpu.memory_space<hbm>>
    tpu.wait_dma2 semaphore(%arg6 : memref<!tpu.dma_semaphore, #tpu.memory_space<semaphore_mem>>) src(%arg4 : memref<16x6400xf32, #tpu.memory_space<vmem>>) dst(%dma_wait3A_528 : memref<16x6400xf32, #tpu.memory_space<hbm>>)
    %dma_wait3A_529 = arith.constant 0 : i32
    %dma_wait3A_530 = tpu.memref_slice %arg3[%add3A_478, %dma_wait3A_529] : memref<16384x6400xf32, #tpu.memory_space<hbm>> -> memref<16x6400xf32, #tpu.memory_space<hbm>>
    %dma_wait3A_531 = arith.constant 0 : i32
    %dma_wait3A_532 = tpu.memref_slice %arg3[%add3A_478, %dma_wait3A_531] : memref<16384x6400xf32, #tpu.memory_space<hbm>> -> memref<16x6400xf32, #tpu.memory_space<hbm>>
    tpu.wait_dma2 semaphore(%arg6 : memref<!tpu.dma_semaphore, #tpu.memory_space<semaphore_mem>>) src(%arg4 : memref<16x6400xf32, #tpu.memory_space<vmem>>) dst(%dma_wait3A_532 : memref<16x6400xf32, #tpu.memory_space<hbm>>)
    %dma_wait3A_533 = arith.constant 0 : i32
    %dma_wait3A_534 = tpu.memref_slice %arg3[%add3A_488, %dma_wait3A_533] : memref<16384x6400xf32, #tpu.memory_space<hbm>> -> memref<16x6400xf32, #tpu.memory_space<hbm>>
    %dma_wait3A_535 = arith.constant 0 : i32
    %dma_wait3A_536 = tpu.memref_slice %arg3[%add3A_488, %dma_wait3A_535] : memref<16384x6400xf32, #tpu.memory_space<hbm>> -> memref<16x6400xf32, #tpu.memory_space<hbm>>
    tpu.wait_dma2 semaphore(%arg6 : memref<!tpu.dma_semaphore, #tpu.memory_space<semaphore_mem>>) src(%arg4 : memref<16x6400xf32, #tpu.memory_space<vmem>>) dst(%dma_wait3A_536 : memref<16x6400xf32, #tpu.memory_space<hbm>>)
    %dma_wait3A_537 = arith.constant 0 : i32
    %dma_wait3A_538 = tpu.memref_slice %arg3[%add3A_498, %dma_wait3A_537] : memref<16384x6400xf32, #tpu.memory_space<hbm>> -> memref<16x6400xf32, #tpu.memory_space<hbm>>
    %dma_wait3A_539 = arith.constant 0 : i32
    %dma_wait3A_540 = tpu.memref_slice %arg3[%add3A_498, %dma_wait3A_539] : memref<16384x6400xf32, #tpu.memory_space<hbm>> -> memref<16x6400xf32, #tpu.memory_space<hbm>>
    tpu.wait_dma2 semaphore(%arg6 : memref<!tpu.dma_semaphore, #tpu.memory_space<semaphore_mem>>) src(%arg4 : memref<16x6400xf32, #tpu.memory_space<vmem>>) dst(%dma_wait3A_540 : memref<16x6400xf32, #tpu.memory_space<hbm>>)
    %dma_wait3A_541 = arith.constant 0 : i32
    %dma_wait3A_542 = tpu.memref_slice %arg3[%add3A_508, %dma_wait3A_541] : memref<16384x6400xf32, #tpu.memory_space<hbm>> -> memref<16x6400xf32, #tpu.memory_space<hbm>>
    %dma_wait3A_543 = arith.constant 0 : i32
    %dma_wait3A_544 = tpu.memref_slice %arg3[%add3A_508, %dma_wait3A_543] : memref<16384x6400xf32, #tpu.memory_space<hbm>> -> memref<16x6400xf32, #tpu.memory_space<hbm>>
    tpu.wait_dma2 semaphore(%arg6 : memref<!tpu.dma_semaphore, #tpu.memory_space<semaphore_mem>>) src(%arg4 : memref<16x6400xf32, #tpu.memory_space<vmem>>) dst(%dma_wait3A_544 : memref<16x6400xf32, #tpu.memory_space<hbm>>)
    return
  }
}

</mosaic_0001>

<sc_bundles>
// kernel: kernel.3.cloned.1.call-start
scs
__scs_entry_jumppad:
0x0: {  	(pc) =	sbr.rel $0x88, $3  }
0x1: {  	(tag) =	ssettag $0x0;
	lr =	simm.s32 $0x1  }
0x2: {  	[smem:$0x3FA0] =	sst lr;
	_ =	strace $0xD0000000  }
0x3: {  	_ = 	snop  }
0x4: {  	_ = 	snop  }
0x5: {  	_ = 	snop  }
0x6: {  	_ = 	snop  }
0x7: {  	_ = 	snop  }
__scs_overlays_trampoline_lowered:
0x8: {  	[smem:$0x3FAF] =	sst s0  }
0x9: {  	[smem:$0x3FB0] =	sst s1  }
0xa: {  	[smem:$0x3FB1] =	sst s2  }
0xb: {  	[smem:$0x3FB2] =	sst s3  }
0xc: {  	[smem:$0x3FB3] =	sst s4  }
0xd: {  	[smem:$0x3FB4] =	sst s5  }
0xe: {  	[smem:$0x3FB5] =	sst s6  }
0xf: {  	[smem:$0x3FB6] =	sst s7  }
0x10: {  	[smem:$0x3FB7] =	sst s8  }
0x11: {  	[smem:$0x3FB8] =	sst s9;
	s0 =	simm.s32 @!p0 $0x0  }
0x12: {  	s1 =	sld [smem:$0x3F9E];
	s0 =	simm.s32 @p0 $0x1  }
0x13: {  	[smem:$0x3FB9] =	sst s0;
	s0 =	simm.s32 @!p1 $0x0  }
0x14: {  	s2 =	sld [smem:$0x3F9D];
	s0 =	simm.s32 @p1 $0x1  }
0x15: {  	[smem:$0x3FBA] =	sst s0;
	s0 =	simm.s32 @!p2 $0x0  }
0x16: {  	s3 =	sld [smem:$0x3FDB];
	s0 =	simm.s32 @p2 $0x1  }
0x17: {  	s4 =	simm.s32 $0x1BF5;
	[smem:$0x3FBC] =	sst s0  }
0x18: {  	s0 =	sld [smem:$0x3F9F];
	_ =	swait.ge [sflag:s4], $0x0  }
0x19: {  	s7 =	sld [smem:$0x3FA0]  }
0x1a: {  	s8 =	sadd.s32 $0xFFFFE003, lr  }
0x1b: {  	s9 =	sadd.s32 $0xFFFFFEF7, lr;
	s5 =	simm.s32 $0xFFFFFFFF;
	p2 =	slt.u32 s8, $0xFFFFF086  }
0x1c: {  	p1 =	slt.u32 s9, $0xF7A;
	s5 =	simm.s32 @!p2 $0x0  }
0x1d: {  	s5 =	simm.s32 @p1 $0x1;
	p0 =	seq.s32 s7, s2  }
0x1e: {  	s7 =	smul.u32 @!p0 $0xF7A, s2;
	p2 =	seq.s32 @!p0 s5, $0x0  }
0x1f: {  	s9 =	smul.u32 $0xF7A, s1;
	s8 =	simm.s32 @!p0 $0x1BF5;
	p2 =	por !p2, p0  }
0x20: {  	[sflag:s8] =	ssyncset.s32 @!p0 $0xFFFFF086;
	s6 =	sadd.s32 @!p0 s3, s7;
	s7 =	simm.s32 @!p0 $0x108  }
0x21: {  	s3 =	sadd.s32 s3, s9;
	s6 =	sadd.s32 @!p0 $0x88, s6;
	s7 =	simm.s32 @p2 $0x1082  }
0x22: {  	[simem:s7], [sflag:s8] =	dma.local @!p0 [hbm:s6], $0xF7A  }
0x23: {  	s9 =	sor.u32 $0xD0000000, s2;
	s6 =	simm.s32 $0x108;
	_ =	swait.ge @!p0 [sflag:s8], $0x0  }
0x24: {  	s3 =	sadd.s32 $0x88, s3;
	s6 =	simm.s32 @!p1 $0x1082;
	[sflag:s4] =	ssyncset.s32 $0xFFFFF086  }
0x25: {  	[simem:s6], [sflag:s4] =	dma.local [hbm:s3], $0xF7A  }
0x26: {  	[smem:$0x3FA0] =	sst s1;
	(tag) =	ssettag s2;
	_ =	strace s9  }
0x27: {  	s1 =	sld [smem:$0x3FB0]  }
0x28: {  	s2 =	sld [smem:$0x3FB1]  }
0x29: {  	s4 =	sld [smem:$0x3FB3]  }
0x2a: {  	p0 =	seq.s32 s5, $0x0;
	s5 =	sld [smem:$0x3FB4]  }
0x2b: {  	s6 =	sld [smem:$0x3FB5]  }
0x2c: {  	s7 =	sld [smem:$0x3FB6]  }
0x2d: {  	s3 =	simm.s32 $0x108;
	s8 =	sld [smem:$0x3FB7]  }
0x2e: {  	s3 =	simm.s32 @!p0 $0x1082;
	s9 =	sld [smem:$0x3FB8]  }
0x2f: {  	lr =	sadd.s32 s0, s3;
	s0 =	sld [smem:$0x3FAF]  }
0x30: {  	s3 =	sld [smem:$0x3FB2]  }
0x31: {  	[smem:$0x3FBB] =	sst s10  }
0x32: {  	s10 =	sld [smem:$0x3FB9];
	_ =	sdelay $0x3  }
0x33: {  	p0 =	seq.s32 s10, $0x1;
	s10 =	sld [smem:$0x3FBB];
	_ =	sdelay $0x3  }
0x34: {  	[smem:$0x3FBB] =	sst s10  }
0x35: {  	s10 =	sld [smem:$0x3FBA];
	_ =	sdelay $0x3  }
0x36: {  	p1 =	seq.s32 s10, $0x1;
	s10 =	sld [smem:$0x3FBB];
	_ =	sdelay $0x3  }
0x37: {  	[smem:$0x3FBB] =	sst s10  }
0x38: {  	s10 =	sld [smem:$0x3FBC]  }
0x39: {  	_ = 	snop;
	(pc) =	sbr.ind lr, $3  }
0x3a: {  	_ = 	snop  }
0x3b: {  	_ = 	snop  }
0x3c: {  	p2 =	seq.s32 s10, $0x1;
	s10 =	sld [smem:$0x3FBB]  }
0x3d: {  	_ =	shalt  }
0x3e: {  	_ =	shalt  }
0x3f: {  	_ =	shalt  }
0x40: {  	_ =	shalt  }
0x41: {  	_ =	shalt  }
0x42: {  	_ =	shalt  }
0x43: {  	_ =	shalt  }
0x44: {  	_ =	shalt  }
0x45: {  	_ =	shalt  }
0x46: {  	_ =	shalt  }
0x47: {  	_ =	shalt  }
0x48: {  	_ =	shalt  }
0x49: {  	_ =	shalt  }
0x4a: {  	_ =	shalt  }
0x4b: {  	_ =	shalt  }
0x4c: {  	_ =	shalt  }
0x4d: {  	_ =	shalt  }
0x4e: {  	_ =	shalt  }
0x4f: {  	_ =	shalt  }
0x50: {  	_ =	shalt  }
0x51: {  	_ =	shalt  }
0x52: {  	_ =	shalt  }
0x53: {  	_ =	shalt  }
0x54: {  	_ =	shalt  }
0x55: {  	_ =	shalt  }
0x56: {  	_ =	shalt  }
0x57: {  	_ =	shalt  }
0x58: {  	_ =	shalt  }
0x59: {  	_ =	shalt  }
0x5a: {  	_ =	shalt  }
0x5b: {  	_ =	shalt  }
0x5c: {  	_ =	shalt  }
0x5d: {  	_ =	shalt  }
0x5e: {  	_ =	shalt  }
0x5f: {  	_ =	shalt  }
0x60: {  	_ =	shalt  }
0x61: {  	_ =	shalt  }
0x62: {  	_ =	shalt  }
0x63: {  	_ =	shalt  }
0x64: {  	_ =	shalt  }
0x65: {  	_ =	shalt  }
0x66: {  	_ =	shalt  }
0x67: {  	_ =	shalt  }
0x68: {  	_ =	shalt  }
0x69: {  	_ =	shalt  }
0x6a: {  	_ =	shalt  }
0x6b: {  	_ =	shalt  }
0x6c: {  	_ =	shalt  }
0x6d: {  	_ =	shalt  }
0x6e: {  	_ =	shalt  }
0x6f: {  	_ =	shalt  }
0x70: {  	_ =	shalt  }
0x71: {  	_ =	shalt  }
0x72: {  	_ =	shalt  }
0x73: {  	_ =	shalt  }
0x74: {  	_ =	shalt  }
0x75: {  	_ =	shalt  }
0x76: {  	_ =	shalt  }
0x77: {  	_ =	shalt  }
0x78: {  	_ =	shalt  }
0x79: {  	_ =	shalt  }
0x7a: {  	_ =	shalt  }
0x7b: {  	_ =	shalt  }
0x7c: {  	_ =	shalt  }
0x7d: {  	_ =	shalt  }
0x7e: {  	_ =	shalt  }
0x7f: {  	_ =	shalt  }
0x80: {  	_ =	shalt  }
0x81: {  	_ =	shalt  }
0x82: {  	_ =	shalt  }
0x83: {  	_ =	shalt  }
0x84: {  	_ =	shalt  }
0x85: {  	_ =	shalt  }
0x86: {  	_ =	shalt  }
0x87: {  	_ =	shalt  }
.Lfunc_end0:
.L_simem_size_0:
called_computation_lowered:
.L_overlay_start_0:
0x88: {  	s2 =	sld [smem:$0x3FD9]  }
0x89: {  	s3 =	sld [smem:$0x3FFE];
	_ =	sdelay $0x1  }
0x8a: {  	s1 =	srdreg.scid  }
0x8b: {  	s0 =	sand.u32 $0x1, s1  }
0x8c: {  	s17 =	sshll.u32 s0, $0xA;
	s2 =	sadd.s32 s3, s2  }
0x8d: {  	s2 =	sadd.s32 s2, s17  }
0x8e: {  	[smem:$0x3FC7] =	sst s2  }
0x8f: {  	_ = 	snop  }
0x90: {  	s2 =	sld [smem:$0x3FD0];
	(tm) =	ssettm $0x1  }
0x91: {  	s18 =	sld [smem:$0x3FFB];
	_ =	sdelay $0x3  }
0x92: {  	_ =	strace s18  }
0x93: {  	s3 =	sld [smem:$0x3FFC];
	_ =	sdelay $0x3  }
0x94: {  	_ =	strace s3  }
0x95: {  	s3 =	sld [smem:$0x3FFD];
	_ =	sdelay $0x3  }
0x96: {  	_ =	strace s3  }
0x97: {  	_ =	strace $0x8FFFFFFF  }
0x98: {  	s19 =	sld [smem:$0x3FDB];
	_ =	sdelay $0x1  }
0x99: {  	s4 =	simm.s32 $_scs_section_size  }
0x9a: {  	s5 =	simm.s32 $_size__tile_overlayer_lowered;
	s6 =	simm.s32 $_tile_overlayer_lowered  }
0x9b: {  	s22 =	simm.s32 $0x1BFF;
	s21 =	sshll.u32 s6, $0x1;
	s3 =	sadd.s32 s4, s19  }
0x9c: {  	s7 =	simm.s32 $0x0;
	s20 =	sshll.u32 s5, $0x1;
	s5 =	sadd.s32 s21, s3  }
0x9d: {  	[timem:s7], [sflag:s22] =	dma.local [hbm:s5], s20  }
0x9e: {  	_ =	swait.ge [sflag:s22], s20  }
0x9f: {  	s4 =	ssub.s32 $0x0, s20;
	[sflag:s22] =	ssyncset.done $0x0  }
0xa0: {  	[sflag:s22] =	ssyncadd.s32 s4;
	_ =	sdelay $0x1  }
0xa1: {  	s23 =	simm.s32 $0x1B8B  }
0xa2: {  	_ =	swait.ge [sflag:s23], $0x1  }
0xa3: {  	[sflag:s23] =	ssyncset.done $0x0  }
0xa4: {  	s25 =	simm.s32 $0x1B8E;
	s24 =	sld [smem:$0x3FFE];
	[sflag:s23] =	ssyncadd.s32 $0xFFFFFFFF  }
0xa5: {  	s26 =	simm.s32 $execute0_lowered;
	[smem:$0x3FD2] =	sst s25  }
0xa6: {  	s5 =	sshll.u32 s26, $0x1;
	_ =	strace $0x80000046;
	[dreg:$0x1] =	wrdreg $0xFFFFFFFF  }
0xa7: {  	s28 =	simm.s32 $_size_execute0_lowered;
	s3 =	sadd.s32 s3, s5;
	[dreg:$0x0] =	wrdreg $0x0  }
0xa8: {  	s5 =	sshll.u32 s28, $0x1;
	[dreg:$0x2] =	wrdreg s3  }
0xa9: {  	[dreg:$0x3] =	wrdreg s5  }
0xaa: {  	[dreg:$0x4] =	wrdreg $0xC0  }
0xab: {  	_ =	task [dreg:s7], $0x5FFFF  }
0xac: {  	[dreg:$0x1] =	wrdreg $0xFFFFFFFF  }
0xad: {  	[dreg:$0x0] =	wrdreg $0x60  }
0xae: {  	[dreg:$0x2] =	wrdreg s2  }
0xaf: {  	[dreg:$0x3] =	wrdreg s24  }
0xb0: {  	[dreg:$0x4] =	wrdreg $0x9  }
0xb1: {  	_ =	task.clear_ibuf [dreg:s7], $0x5FFFF;
	_ =	strace $0x90000046  }
0xb2: {  	s29 =	simm.s32 $0x9;
	_ =	strace $0x80000048  }
0xb3: {  	_ =	swait.ge [sflag:s29], $0x1  }
0xb4: {  	[sflag:s29] =	ssyncadd.s32 $0xFFFFFFFF  }
0xb5: {  	_ =	strace $0x90000048  }
0xb6: {  	_ =	sfence  }
0xb7: {  	s30 =	sld [smem:$0x0];
	_ =	sdelay $0x2  }
0xb8: {  	s31 =	sshll.u32 s1, $0xD;
	s1 =	sshrl.u32 s1, $0x2  }
0xb9: {  	s3 =	sand.u32 $0x4000, s31;
	s1 =	sadd.s32 s1, s30  }
0xba: {  	s0 =	sor.u32 s3, s0;
	s1 =	sshll.u32 s1, $0x11  }
0xbb: {  	s0 =	sor.u32 s1, s0  }
0xbc: {  	s0 =	sadd.s32 $0x8F2B, s0  }
0xbd: {  	[sflag:s0] =	ssyncadd.remote.s32 $0x1  }
0xbe: {  	_ =	sfence.sel $0xFFFF  }
0xbf: {  	[dreg:$0x0] =	wrdreg $0xFFFFFFFF;
	(pc) =	sbr.abs _section_cstart, $3  }
0xc0: {  	[dreg:$0x1] =	wrdreg $0xFFFFFFFF  }
0xc1: {  	_ =	task.clear_ibuf [dreg:s7], $0x2FFFF;
	_ =	strace $0x9FFFFFFF  }
0xc2: {  	(tm) =	ssettm $0x7FFFFFFF  }
0xc3: {  	_ =	shalt  }
tec
execute0_lowered:
.L_overlay_start_1:
0x0: {  	(tag) =	ssettag $0x1  }
0x1: {  	s0 =	srdreg.scid  }
0x2: {  	s1 =	stileid.u32;
	s0 =	sand.u32 $0x1, s0  }
0x3: {  	s2 =	rddreg [dreg:$0x0];
	s1 =	sshll.u32 s1, $0x7;
	s3 =	sshll.u32 s0, $0x6  }
0x4: {  	s4 =	rddreg [dreg:$0x1];
	s9 =	simm.s32 $0x1;
	s1 =	sor.u32 s3, s1  }
0x5: {  	s10 =	simm.s32 $0x2;
	s11 =	simm.s32 $0x0;
	s5 =	smul.u32 $0xC800, s1  }
0x6: {  	s4 =	sadd.s32 $0x400, s4;
	s0 =	ssub.s32 $0x2, s0;
	s3 =	simm.s32 $0x0  }
0x7: {  	s6 =	sshrl.u32 s0, $0x1;
	[smem:$0x7FF] =	sst s3;
	s5 =	sshrl.u32 s5, $0x3  }
0x8: {  	s1 =	smul.u32 $0x1900, s1;
	s7 =	ssub.s32 s0, s6;
	s15 =	sadd.s32 s4, s5  }
0x9: {  	_ =	strace $0x80000047;
	s7 =	smax.u32 s7, $0x1;
	s16 =	sadd.s32 $0x6400, s15  }
0xa: {  	s4 =	sadd.s32 s4, s1;
	s17 =	sadd.s32 $0x9600, s15;
	[dreg:$0x3] =	wrdreg s16  }
0xb: {  	s18 =	sadd.s32 $0xC800, s15;
	s19 =	sadd.s32 $0xFA00, s15;
	[dreg:$0x4] =	wrdreg s17  }
0xc: {  	s20 =	sadd.s32 $0x12C00, s15;
	s21 =	sadd.s32 $0x15E00, s15;
	[dreg:$0x5] =	wrdreg s18  }
0xd: {  	s22 =	sadd.s32 $0x19000, s15;
	s23 =	sadd.s32 $0x1C200, s15;
	[dreg:$0x6] =	wrdreg s19  }
0xe: {  	s24 =	sadd.s32 $0x1F400, s15;
	s25 =	sadd.s32 $0x22600, s15;
	[dreg:$0x7] =	wrdreg s20  }
0xf: {  	s26 =	sadd.s32 $0x25800, s15;
	s28 =	sadd.s32 $0x4B000, s15;
	[dreg:$0x8] =	wrdreg s21  }
0x10: {  	s29 =	sadd.s32 $0x4E200, s15;
	s30 =	sadd.s32 $0x51400, s15;
	[dreg:$0x9] =	wrdreg s22  }
0x11: {  	s31 =	sadd.s32 $0x54600, s15;
	s1 =	sadd.s32 $0x57800, s15;
	[dreg:$0xa] =	wrdreg s23  }
0x12: {  	s0 =	sadd.s32 $0x5AA00, s15;
	s5 =	sadd.s32 $0x5DC00, s15;
	[dreg:$0xb] =	wrdreg s24  }
0x13: {  	s6 =	sadd.s32 $0x60E00, s15;
	s8 =	sadd.s32 $0x3200, s4;
	[dreg:$0xc] =	wrdreg s25  }
0x14: {  	[dreg:$0xd] =	wrdreg s26;
	s16 =	sadd.s32 $0x28A00, s15;
	s17 =	sadd.s32 $0x2BC00, s15  }
0x15: {  	s18 =	sadd.s32 $0x2EE00, s15;
	s19 =	sadd.s32 $0x32000, s15;
	s20 =	sadd.s32 $0x35200, s15  }
0x16: {  	s21 =	sadd.s32 $0x38400, s15;
	s22 =	sadd.s32 $0x3B600, s15;
	s23 =	sadd.s32 $0x3E800, s15  }
0x17: {  	s24 =	sadd.s32 $0x41A00, s15;
	s25 =	sadd.s32 $0x44C00, s15;
	s26 =	sadd.s32 $0x47E00, s15  }
.LBB2_1:
0x18: {  	s13 =	simm.s32 $0x0;
	s14 =	simm.s32 $0x0  }
.LBB2_2:
0x19: {  	p0 =	sne.s32 s14, $0x310  }
.Ltmp0:
0x1a: {  	_ = 	snop;
	(pc) =	sbr.rel @p0 .LBB2_2-.Ltmp0, $4  }
0x1b: {  	_ = 	snop  }
0x1c: {  	s15 =	sadd.s32 s14, s2;
	s12 =	simm.s32 $0x0  }
0x1d: {  	[tilespmem:s13], [sflag:$0x1] =	stream.linear.gather [hbm4b:s15+s12], $0x80, $0x38;
	[tilespmem:$0x19000] =	vst v63  }
0x1e: {  	s14 =	sadd.s32 $0x10, s14;
	s13 =	sadd.s32 $0x400, s13  }
0x1f: {  	s13 =	simm.s32 $0x80;
	s14 =	simm.s32 $0x0  }
.LBB2_4:
0x20: {  	p0 =	sne.s32 s14, $0x310  }
.Ltmp1:
0x21: {  	_ = 	snop;
	(pc) =	sbr.rel @p0 .LBB2_4-.Ltmp1, $4  }
0x22: {  	_ = 	snop  }
0x23: {  	s15 =	sadd.s32 s14, s2  }
0x24: {  	[tilespmem:s13], [sflag:$0x1] =	stream.linear.gather [hbm4b:s15+s12], $0x80, $0x38;
	[tilespmem:$0x19000] =	vst v63  }
0x25: {  	s14 =	sadd.s32 $0x10, s14;
	s13 =	sadd.s32 $0x400, s13  }
0x26: {  	s14 =	simm.s32 $0x100  }
.LBB2_6:
0x27: {  	p0 =	sne.s32 s12, $0x310  }
.Ltmp2:
0x28: {  	_ = 	snop;
	(pc) =	sbr.rel @p0 .LBB2_6-.Ltmp2, $4  }
0x29: {  	_ = 	snop  }
0x2a: {  	s15 =	sadd.s32 s12, s2;
	s13 =	simm.s32 $0x0  }
0x2b: {  	[tilespmem:s14], [sflag:$0x1] =	stream.linear.gather [hbm4b:s15+s13], $0x80, $0x38;
	[tilespmem:$0x19000] =	vst v63  }
0x2c: {  	s12 =	sadd.s32 $0x10, s12;
	s14 =	sadd.s32 $0x400, s14  }
0x2d: {  	s12 =	simm.s32 $0x180;
	s14 =	simm.s32 $0x0  }
.LBB2_8:
0x2e: {  	p0 =	sne.s32 s14, $0x310  }
.Ltmp3:
0x2f: {  	_ = 	snop;
	(pc) =	sbr.rel @p0 .LBB2_8-.Ltmp3, $4  }
0x30: {  	_ = 	snop  }
0x31: {  	s15 =	sadd.s32 s14, s2  }
0x32: {  	[tilespmem:s12], [sflag:$0x1] =	stream.linear.gather [hbm4b:s15+s13], $0x80, $0x38;
	[tilespmem:$0x19000] =	vst v63  }
0x33: {  	s14 =	sadd.s32 $0x10, s14;
	s12 =	sadd.s32 $0x400, s12  }
0x34: {  	s14 =	simm.s32 $0x200  }
.LBB2_10:
0x35: {  	p0 =	sne.s32 s13, $0x310  }
.Ltmp4:
0x36: {  	_ = 	snop;
	(pc) =	sbr.rel @p0 .LBB2_10-.Ltmp4, $4  }
0x37: {  	_ = 	snop  }
0x38: {  	s15 =	sadd.s32 s13, s2;
	s12 =	simm.s32 $0x0  }
0x39: {  	[tilespmem:s14], [sflag:$0x1] =	stream.linear.gather [hbm4b:s15+s12], $0x80, $0x38;
	[tilespmem:$0x19000] =	vst v63  }
0x3a: {  	s13 =	sadd.s32 $0x10, s13;
	s14 =	sadd.s32 $0x400, s14  }
0x3b: {  	s13 =	simm.s32 $0x280;
	s14 =	simm.s32 $0x0  }
.LBB2_12:
0x3c: {  	p0 =	sne.s32 s14, $0x310  }
.Ltmp5:
0x3d: {  	_ = 	snop;
	(pc) =	sbr.rel @p0 .LBB2_12-.Ltmp5, $4  }
0x3e: {  	_ = 	snop  }
0x3f: {  	s15 =	sadd.s32 s14, s2  }
0x40: {  	[tilespmem:s13], [sflag:$0x1] =	stream.linear.gather [hbm4b:s15+s12], $0x80, $0x38;
	[tilespmem:$0x19000] =	vst v63  }
0x41: {  	s14 =	sadd.s32 $0x10, s14;
	s13 =	sadd.s32 $0x400, s13  }
0x42: {  	s14 =	simm.s32 $0x300  }
.LBB2_14:
0x43: {  	p0 =	sne.s32 s12, $0x310  }
.Ltmp6:
0x44: {  	_ = 	snop;
	(pc) =	sbr.rel @p0 .LBB2_14-.Ltmp6, $4  }
0x45: {  	_ = 	snop  }
0x46: {  	s15 =	sadd.s32 s12, s2;
	s13 =	simm.s32 $0x0  }
0x47: {  	[tilespmem:s14], [sflag:$0x1] =	stream.linear.gather [hbm4b:s15+s13], $0x80, $0x38;
	[tilespmem:$0x19000] =	vst v63  }
0x48: {  	s12 =	sadd.s32 $0x10, s12;
	s14 =	sadd.s32 $0x400, s14  }
0x49: {  	s12 =	simm.s32 $0x380;
	s14 =	simm.s32 $0x0  }
.LBB2_16:
0x4a: {  	p0 =	sne.s32 s14, $0x310  }
.Ltmp7:
0x4b: {  	_ = 	snop;
	(pc) =	sbr.rel @p0 .LBB2_16-.Ltmp7, $4  }
0x4c: {  	_ = 	snop  }
0x4d: {  	s15 =	sadd.s32 s14, s2  }
0x4e: {  	[tilespmem:s12], [sflag:$0x1] =	stream.linear.gather [hbm4b:s15+s13], $0x80, $0x38;
	[tilespmem:$0x19000] =	vst v63  }
0x4f: {  	s14 =	sadd.s32 $0x10, s14;
	s12 =	sadd.s32 $0x400, s12  }
0x50: {  	s14 =	simm.s32 $0xC800  }
.LBB2_18:
0x51: {  	p0 =	sne.s32 s13, $0x310  }
.Ltmp8:
0x52: {  	_ = 	snop;
	(pc) =	sbr.rel @p0 .LBB2_18-.Ltmp8, $4  }
0x53: {  	_ = 	snop  }
0x54: {  	s15 =	sadd.s32 s13, s2;
	s12 =	simm.s32 $0x0  }
0x55: {  	[tilespmem:s14], [sflag:$0x1] =	stream.linear.gather [hbm4b:s15+s12], $0x80, $0x38;
	[tilespmem:$0x19000] =	vst v63  }
0x56: {  	s13 =	sadd.s32 $0x10, s13;
	s14 =	sadd.s32 $0x400, s14  }
0x57: {  	s13 =	simm.s32 $0xC880;
	s14 =	simm.s32 $0x0  }
.LBB2_20:
0x58: {  	p0 =	sne.s32 s14, $0x310  }
.Ltmp9:
0x59: {  	_ = 	snop;
	(pc) =	sbr.rel @p0 .LBB2_20-.Ltmp9, $4  }
0x5a: {  	_ = 	snop  }
0x5b: {  	s15 =	sadd.s32 s14, s2  }
0x5c: {  	[tilespmem:s13], [sflag:$0x1] =	stream.linear.gather [hbm4b:s15+s12], $0x80, $0x38;
	[tilespmem:$0x19000] =	vst v63  }
0x5d: {  	s14 =	sadd.s32 $0x10, s14;
	s13 =	sadd.s32 $0x400, s13  }
0x5e: {  	s14 =	simm.s32 $0xC900  }
.LBB2_22:
0x5f: {  	p0 =	sne.s32 s12, $0x310  }
.Ltmp10:
0x60: {  	_ = 	snop;
	(pc) =	sbr.rel @p0 .LBB2_22-.Ltmp10, $4  }
0x61: {  	_ = 	snop  }
0x62: {  	s15 =	sadd.s32 s12, s2;
	s13 =	simm.s32 $0x0  }
0x63: {  	[tilespmem:s14], [sflag:$0x1] =	stream.linear.gather [hbm4b:s15+s13], $0x80, $0x38;
	[tilespmem:$0x19000] =	vst v63  }
0x64: {  	s12 =	sadd.s32 $0x10, s12;
	s14 =	sadd.s32 $0x400, s14  }
0x65: {  	s12 =	simm.s32 $0xC980;
	s14 =	simm.s32 $0x0  }
.LBB2_24:
0x66: {  	p0 =	sne.s32 s14, $0x310  }
.Ltmp11:
0x67: {  	_ = 	snop;
	(pc) =	sbr.rel @p0 .LBB2_24-.Ltmp11, $4  }
0x68: {  	_ = 	snop  }
0x69: {  	s15 =	sadd.s32 s14, s2  }
0x6a: {  	[tilespmem:s12], [sflag:$0x1] =	stream.linear.gather [hbm4b:s15+s13], $0x80, $0x38;
	[tilespmem:$0x19000] =	vst v63  }
0x6b: {  	s14 =	sadd.s32 $0x10, s14;
	s12 =	sadd.s32 $0x400, s12  }
0x6c: {  	s14 =	simm.s32 $0xCA00  }
.LBB2_26:
0x6d: {  	p0 =	sne.s32 s13, $0x310  }
.Ltmp12:
0x6e: {  	_ = 	snop;
	(pc) =	sbr.rel @p0 .LBB2_26-.Ltmp12, $4  }
0x6f: {  	_ = 	snop  }
0x70: {  	s15 =	sadd.s32 s13, s2;
	s12 =	simm.s32 $0x0  }
0x71: {  	[tilespmem:s14], [sflag:$0x1] =	stream.linear.gather [hbm4b:s15+s12], $0x80, $0x38;
	[tilespmem:$0x19000] =	vst v63  }
0x72: {  	s13 =	sadd.s32 $0x10, s13;
	s14 =	sadd.s32 $0x400, s14  }
0x73: {  	s13 =	simm.s32 $0xCA80;
	s14 =	simm.s32 $0x0  }
.LBB2_28:
0x74: {  	p0 =	sne.s32 s14, $0x310  }
.Ltmp13:
0x75: {  	_ = 	snop;
	(pc) =	sbr.rel @p0 .LBB2_28-.Ltmp13, $4  }
0x76: {  	_ = 	snop  }
0x77: {  	s15 =	sadd.s32 s14, s2  }
0x78: {  	[tilespmem:s13], [sflag:$0x1] =	stream.linear.gather [hbm4b:s15+s12], $0x80, $0x38;
	[tilespmem:$0x19000] =	vst v63  }
0x79: {  	s14 =	sadd.s32 $0x10, s14;
	s13 =	sadd.s32 $0x400, s13  }
0x7a: {  	s13 =	simm.s32 $0xCB00  }
.LBB2_30:
0x7b: {  	p0 =	sne.s32 s12, $0x310  }
.Ltmp14:
0x7c: {  	_ = 	snop;
	(pc) =	sbr.rel @p0 .LBB2_30-.Ltmp14, $4  }
0x7d: {  	_ = 	snop  }
0x7e: {  	s14 =	sadd.s32 s12, s2;
	s15 =	simm.s32 $0x0  }
0x7f: {  	[tilespmem:s13], [sflag:$0x1] =	stream.linear.gather [hbm4b:s14+s15], $0x80, $0x38;
	[tilespmem:$0x19000] =	vst v63  }
0x80: {  	s12 =	sadd.s32 $0x10, s12;
	s13 =	sadd.s32 $0x400, s13  }
0x81: {  	s12 =	simm.s32 $0xCB80  }
0x82: {  	s13 =	simm.s32 $0x10;
	s15 =	sadd.s32 $0x0, s2;
	s14 =	simm.s32 $0xCF80  }
.LBB2_32:
0x83: {  	[tilespmem:s12], [sflag:$0x1] =	stream.linear.gather [hbm4b:s15+s3], $0x80, $0x38;
	[tilespmem:$0x19000] =	vst v63  }
0x84: {  	s15 =	smov.u32 s13;
	s12 =	smov.u32 s14;
	p0 =	sne.s32 s13, $0x310  }
.Ltmp15:
0x85: {  	s13 =	sadd.s32 $0x10, s13;
	(pc) =	sbr.rel @p0 .LBB2_32-.Ltmp15, $2  }
0x86: {  	_ =	sdelay $0x2  }
0x87: {  	s14 =	sadd.s32 $0x400, s14;
	s15 =	sadd.s32 s15, s2  }
0x88: {  	[tilespmem:s12], [sflag:$0x1] =	stream.linear.gather [hbm4b:s15+s3], $0x80, $0x38;
	[tilespmem:$0x19000] =	vst v63  }
0x89: {  	_ =	swait.ge [sflag:s9], $0x1900  }
0x8a: {  	[sflag:s9] =	ssyncset.done $0x0  }
0x8b: {  	[sflag:s9] =	ssyncadd.s32 $0xFFFFE700  }
0x8c: {  	_ =	swait.ge [sflag:s9], $0x1900  }
0x8d: {  	[sflag:s9] =	ssyncset.done $0x0  }
0x8e: {  	[sflag:s9] =	ssyncadd.s32 $0xFFFFE700  }
0x8f: {  	_ =	swait.ge [sflag:s9], $0x1900  }
0x90: {  	[sflag:s9] =	ssyncset.done $0x0  }
0x91: {  	[sflag:s9] =	ssyncadd.s32 $0xFFFFE700  }
0x92: {  	_ =	swait.ge [sflag:s9], $0x1900  }
0x93: {  	[sflag:s9] =	ssyncset.done $0x0  }
0x94: {  	[sflag:s9] =	ssyncadd.s32 $0xFFFFE700  }
0x95: {  	_ =	swait.ge [sflag:s9], $0x1900  }
0x96: {  	[sflag:s9] =	ssyncset.done $0x0  }
0x97: {  	[sflag:s9] =	ssyncadd.s32 $0xFFFFE700  }
0x98: {  	_ =	swait.ge [sflag:s9], $0x1900  }
0x99: {  	[sflag:s9] =	ssyncset.done $0x0  }
0x9a: {  	[sflag:s9] =	ssyncadd.s32 $0xFFFFE700  }
0x9b: {  	_ =	swait.ge [sflag:s9], $0x1900  }
0x9c: {  	[sflag:s9] =	ssyncset.done $0x0  }
0x9d: {  	[sflag:s9] =	ssyncadd.s32 $0xFFFFE700  }
0x9e: {  	_ =	swait.ge [sflag:s9], $0x1900  }
0x9f: {  	[sflag:s9] =	ssyncset.done $0x0  }
0xa0: {  	[sflag:s9] =	ssyncadd.s32 $0xFFFFE700  }
0xa1: {  	_ =	swait.ge [sflag:s9], $0x1900  }
0xa2: {  	[sflag:s9] =	ssyncset.done $0x0  }
0xa3: {  	[sflag:s9] =	ssyncadd.s32 $0xFFFFE700  }
0xa4: {  	_ =	swait.ge [sflag:s9], $0x1900  }
0xa5: {  	[sflag:s9] =	ssyncset.done $0x0  }
0xa6: {  	[sflag:s9] =	ssyncadd.s32 $0xFFFFE700  }
0xa7: {  	_ =	swait.ge [sflag:s9], $0x1900  }
0xa8: {  	[sflag:s9] =	ssyncset.done $0x0  }
0xa9: {  	[sflag:s9] =	ssyncadd.s32 $0xFFFFE700  }
0xaa: {  	_ =	swait.ge [sflag:s9], $0x1900  }
0xab: {  	[sflag:s9] =	ssyncset.done $0x0  }
0xac: {  	[sflag:s9] =	ssyncadd.s32 $0xFFFFE700  }
0xad: {  	_ =	swait.ge [sflag:s9], $0x1900  }
0xae: {  	[sflag:s9] =	ssyncset.done $0x0  }
0xaf: {  	[sflag:s9] =	ssyncadd.s32 $0xFFFFE700  }
0xb0: {  	_ =	swait.ge [sflag:s9], $0x1900  }
0xb1: {  	[sflag:s9] =	ssyncset.done $0x0  }
0xb2: {  	[sflag:s9] =	ssyncadd.s32 $0xFFFFE700  }
0xb3: {  	_ =	swait.ge [sflag:s9], $0x1900  }
0xb4: {  	[sflag:s9] =	ssyncset.done $0x0  }
0xb5: {  	[sflag:s9] =	ssyncadd.s32 $0xFFFFE700  }
0xb6: {  	_ =	swait.ge [sflag:s9], $0x1900  }
0xb7: {  	[sflag:s9] =	ssyncset.done $0x0  }
0xb8: {  	[sflag:s9] =	ssyncadd.s32 $0xFFFFE700  }
0xb9: {  	[hbm4b:s4+s3] =	stream.linear.scatter [tilespmem:s3], [sflag:$0x2], $0x19000, $0x38;
	[tilespmem:$0x19000] =	vst v63  }
0xba: {  	_ = 	snop  }
0xbb: {  	[hbm4b:s8+s3] =	stream.linear.scatter [tilespmem:s3], [sflag:$0x2], $0x19000, $0x38;
	[tilespmem:$0x19000] =	vst v63  }
0xbc: {  	s14 =	rddreg [dreg:$0x3]  }
0xbd: {  	[hbm4b:s14+s3] =	stream.linear.scatter [tilespmem:s3], [sflag:$0x2], $0x19000, $0x38;
	[tilespmem:$0x19000] =	vst v63  }
0xbe: {  	s15 =	rddreg [dreg:$0x4]  }
0xbf: {  	[hbm4b:s15+s3] =	stream.linear.scatter [tilespmem:s3], [sflag:$0x2], $0x19000, $0x38;
	[tilespmem:$0x19000] =	vst v63  }
0xc0: {  	s13 =	rddreg [dreg:$0x5]  }
0xc1: {  	[hbm4b:s13+s3] =	stream.linear.scatter [tilespmem:s3], [sflag:$0x2], $0x19000, $0x38;
	[tilespmem:$0x19000] =	vst v63  }
0xc2: {  	s14 =	rddreg [dreg:$0x6]  }
0xc3: {  	[hbm4b:s14+s3] =	stream.linear.scatter [tilespmem:s3], [sflag:$0x2], $0x19000, $0x38;
	[tilespmem:$0x19000] =	vst v63  }
0xc4: {  	s15 =	rddreg [dreg:$0x7]  }
0xc5: {  	[hbm4b:s15+s3] =	stream.linear.scatter [tilespmem:s3], [sflag:$0x2], $0x19000, $0x38;
	[tilespmem:$0x19000] =	vst v63  }
0xc6: {  	s13 =	rddreg [dreg:$0x8]  }
0xc7: {  	[hbm4b:s13+s3] =	stream.linear.scatter [tilespmem:s3], [sflag:$0x2], $0x19000, $0x38;
	[tilespmem:$0x19000] =	vst v63  }
0xc8: {  	_ =	swait.ge [sflag:s10], $0x19000  }
0xc9: {  	[sflag:s10] =	ssyncset.done $0x0  }
0xca: {  	s14 =	rddreg [dreg:$0x9];
	[sflag:s10] =	ssyncadd.s32 $0xFFFE7000  }
0xcb: {  	[hbm4b:s14+s3] =	stream.linear.scatter [tilespmem:s3], [sflag:$0x2], $0x19000, $0x38;
	[tilespmem:$0x19000] =	vst v63  }
0xcc: {  	_ =	swait.ge [sflag:s10], $0x19000  }
0xcd: {  	[sflag:s10] =	ssyncset.done $0x0  }
0xce: {  	s15 =	rddreg [dreg:$0xa];
	[sflag:s10] =	ssyncadd.s32 $0xFFFE7000  }
0xcf: {  	[hbm4b:s15+s3] =	stream.linear.scatter [tilespmem:s3], [sflag:$0x2], $0x19000, $0x38;
	[tilespmem:$0x19000] =	vst v63  }
0xd0: {  	_ =	swait.ge [sflag:s10], $0x19000  }
0xd1: {  	[sflag:s10] =	ssyncset.done $0x0  }
0xd2: {  	s13 =	rddreg [dreg:$0xb];
	[sflag:s10] =	ssyncadd.s32 $0xFFFE7000  }
0xd3: {  	[hbm4b:s13+s3] =	stream.linear.scatter [tilespmem:s3], [sflag:$0x2], $0x19000, $0x38;
	[tilespmem:$0x19000] =	vst v63  }
0xd4: {  	_ =	swait.ge [sflag:s10], $0x19000  }
0xd5: {  	[sflag:s10] =	ssyncset.done $0x0  }
0xd6: {  	s14 =	rddreg [dreg:$0xc];
	[sflag:s10] =	ssyncadd.s32 $0xFFFE7000  }
0xd7: {  	[hbm4b:s14+s3] =	stream.linear.scatter [tilespmem:s3], [sflag:$0x2], $0x19000, $0x38;
	[tilespmem:$0x19000] =	vst v63  }
0xd8: {  	_ =	swait.ge [sflag:s10], $0x19000  }
0xd9: {  	[sflag:s10] =	ssyncset.done $0x0  }
0xda: {  	s15 =	rddreg [dreg:$0xd];
	[sflag:s10] =	ssyncadd.s32 $0xFFFE7000  }
0xdb: {  	[hbm4b:s15+s3] =	stream.linear.scatter [tilespmem:s3], [sflag:$0x2], $0x19000, $0x38;
	[tilespmem:$0x19000] =	vst v63  }
0xdc: {  	_ =	swait.ge [sflag:s10], $0x19000  }
0xdd: {  	[sflag:s10] =	ssyncset.done $0x0  }
0xde: {  	[sflag:s10] =	ssyncadd.s32 $0xFFFE7000  }
0xdf: {  	[hbm4b:s16+s3] =	stream.linear.scatter [tilespmem:s3], [sflag:$0x2], $0x19000, $0x38;
	[tilespmem:$0x19000] =	vst v63  }
0xe0: {  	_ =	swait.ge [sflag:s10], $0x19000  }
0xe1: {  	[sflag:s10] =	ssyncset.done $0x0  }
0xe2: {  	[sflag:s10] =	ssyncadd.s32 $0xFFFE7000  }
0xe3: {  	[hbm4b:s17+s3] =	stream.linear.scatter [tilespmem:s3], [sflag:$0x2], $0x19000, $0x38;
	[tilespmem:$0x19000] =	vst v63  }
0xe4: {  	_ =	swait.ge [sflag:s10], $0x19000  }
0xe5: {  	[sflag:s10] =	ssyncset.done $0x0  }
0xe6: {  	[sflag:s10] =	ssyncadd.s32 $0xFFFE7000  }
0xe7: {  	[hbm4b:s18+s3] =	stream.linear.scatter [tilespmem:s3], [sflag:$0x2], $0x19000, $0x38;
	[tilespmem:$0x19000] =	vst v63  }
0xe8: {  	_ =	swait.ge [sflag:s10], $0x19000  }
0xe9: {  	[sflag:s10] =	ssyncset.done $0x0  }
0xea: {  	[sflag:s10] =	ssyncadd.s32 $0xFFFE7000  }
0xeb: {  	[hbm4b:s19+s3] =	stream.linear.scatter [tilespmem:s3], [sflag:$0x2], $0x19000, $0x38;
	[tilespmem:$0x19000] =	vst v63  }
0xec: {  	_ =	swait.ge [sflag:s10], $0x19000  }
0xed: {  	[sflag:s10] =	ssyncset.done $0x0  }
0xee: {  	[sflag:s10] =	ssyncadd.s32 $0xFFFE7000  }
0xef: {  	[hbm4b:s20+s3] =	stream.linear.scatter [tilespmem:s3], [sflag:$0x2], $0x19000, $0x38;
	[tilespmem:$0x19000] =	vst v63  }
0xf0: {  	_ =	swait.ge [sflag:s10], $0x19000  }
0xf1: {  	[sflag:s10] =	ssyncset.done $0x0  }
0xf2: {  	[sflag:s10] =	ssyncadd.s32 $0xFFFE7000  }
0xf3: {  	[hbm4b:s21+s3] =	stream.linear.scatter [tilespmem:s3], [sflag:$0x2], $0x19000, $0x38;
	[tilespmem:$0x19000] =	vst v63  }
0xf4: {  	_ =	swait.ge [sflag:s10], $0x19000  }
0xf5: {  	[sflag:s10] =	ssyncset.done $0x0  }
0xf6: {  	[sflag:s10] =	ssyncadd.s32 $0xFFFE7000  }
0xf7: {  	[hbm4b:s22+s3] =	stream.linear.scatter [tilespmem:s3], [sflag:$0x2], $0x19000, $0x38;
	[tilespmem:$0x19000] =	vst v63  }
0xf8: {  	_ =	swait.ge [sflag:s10], $0x19000  }
0xf9: {  	[sflag:s10] =	ssyncset.done $0x0  }
0xfa: {  	[sflag:s10] =	ssyncadd.s32 $0xFFFE7000  }
0xfb: {  	[hbm4b:s23+s3] =	stream.linear.scatter [tilespmem:s3], [sflag:$0x2], $0x19000, $0x38;
	[tilespmem:$0x19000] =	vst v63  }
0xfc: {  	_ =	swait.ge [sflag:s10], $0x19000  }
0xfd: {  	[sflag:s10] =	ssyncset.done $0x0  }
0xfe: {  	[sflag:s10] =	ssyncadd.s32 $0xFFFE7000  }
0xff: {  	[hbm4b:s24+s3] =	stream.linear.scatter [tilespmem:s3], [sflag:$0x2], $0x19000, $0x38;
	[tilespmem:$0x19000] =	vst v63  }
0x100: {  	_ =	swait.ge [sflag:s10], $0x19000  }
0x101: {  	[sflag:s10] =	ssyncset.done $0x0  }
0x102: {  	[sflag:s10] =	ssyncadd.s32 $0xFFFE7000  }
0x103: {  	[hbm4b:s25+s3] =	stream.linear.scatter [tilespmem:s3], [sflag:$0x2], $0x19000, $0x38;
	[tilespmem:$0x19000] =	vst v63  }
0x104: {  	_ =	swait.ge [sflag:s10], $0x19000  }
0x105: {  	[sflag:s10] =	ssyncset.done $0x0  }
0x106: {  	[sflag:s10] =	ssyncadd.s32 $0xFFFE7000  }
0x107: {  	[hbm4b:s26+s3] =	stream.linear.scatter [tilespmem:s3], [sflag:$0x2], $0x19000, $0x38;
	[tilespmem:$0x19000] =	vst v63  }
0x108: {  	_ =	swait.ge [sflag:s10], $0x19000  }
0x109: {  	[sflag:s10] =	ssyncset.done $0x0  }
0x10a: {  	[sflag:s10] =	ssyncadd.s32 $0xFFFE7000  }
0x10b: {  	[hbm4b:s28+s3] =	stream.linear.scatter [tilespmem:s3], [sflag:$0x2], $0x19000, $0x38;
	[tilespmem:$0x19000] =	vst v63  }
0x10c: {  	_ =	swait.ge [sflag:s10], $0x19000  }
0x10d: {  	[sflag:s10] =	ssyncset.done $0x0  }
0x10e: {  	[sflag:s10] =	ssyncadd.s32 $0xFFFE7000  }
0x10f: {  	[hbm4b:s29+s3] =	stream.linear.scatter [tilespmem:s3], [sflag:$0x2], $0x19000, $0x38;
	[tilespmem:$0x19000] =	vst v63  }
0x110: {  	_ =	swait.ge [sflag:s10], $0x19000  }
0x111: {  	[sflag:s10] =	ssyncset.done $0x0  }
0x112: {  	[sflag:s10] =	ssyncadd.s32 $0xFFFE7000  }
0x113: {  	[hbm4b:s30+s3] =	stream.linear.scatter [tilespmem:s3], [sflag:$0x2], $0x19000, $0x38;
	[tilespmem:$0x19000] =	vst v63  }
0x114: {  	_ =	swait.ge [sflag:s10], $0x19000  }
0x115: {  	[sflag:s10] =	ssyncset.done $0x0  }
0x116: {  	[sflag:s10] =	ssyncadd.s32 $0xFFFE7000  }
0x117: {  	[hbm4b:s31+s3] =	stream.linear.scatter [tilespmem:s3], [sflag:$0x2], $0x19000, $0x38;
	[tilespmem:$0x19000] =	vst v63  }
0x118: {  	_ =	swait.ge [sflag:s10], $0x19000  }
0x119: {  	[sflag:s10] =	ssyncset.done $0x0  }
0x11a: {  	[sflag:s10] =	ssyncadd.s32 $0xFFFE7000  }
0x11b: {  	[hbm4b:s1+s3] =	stream.linear.scatter [tilespmem:s3], [sflag:$0x2], $0x19000, $0x38;
	[tilespmem:$0x19000] =	vst v63  }
0x11c: {  	_ =	swait.ge [sflag:s10], $0x19000  }
0x11d: {  	[sflag:s10] =	ssyncset.done $0x0  }
0x11e: {  	[sflag:s10] =	ssyncadd.s32 $0xFFFE7000  }
0x11f: {  	[hbm4b:s0+s3] =	stream.linear.scatter [tilespmem:s3], [sflag:$0x2], $0x19000, $0x38;
	[tilespmem:$0x19000] =	vst v63  }
0x120: {  	_ =	swait.ge [sflag:s10], $0x19000  }
0x121: {  	[sflag:s10] =	ssyncset.done $0x0  }
0x122: {  	[sflag:s10] =	ssyncadd.s32 $0xFFFE7000  }
0x123: {  	[hbm4b:s5+s3] =	stream.linear.scatter [tilespmem:s3], [sflag:$0x2], $0x19000, $0x38;
	[tilespmem:$0x19000] =	vst v63  }
0x124: {  	_ =	swait.ge [sflag:s10], $0x19000  }
0x125: {  	[sflag:s10] =	ssyncset.done $0x0  }
0x126: {  	[sflag:s10] =	ssyncadd.s32 $0xFFFE7000  }
0x127: {  	[hbm4b:s6+s3] =	stream.linear.scatter [tilespmem:s3], [sflag:$0x2], $0x19000, $0x38;
	[tilespmem:$0x19000] =	vst v63  }
0x128: {  	_ =	swait.ge [sflag:s10], $0x19000  }
0x129: {  	[sflag:s10] =	ssyncset.done $0x0  }
0x12a: {  	[sflag:s10] =	ssyncadd.s32 $0xFFFE7000  }
0x12b: {  	_ =	swait.ge [sflag:s10], $0x19000  }
0x12c: {  	[sflag:s10] =	ssyncset.done $0x0  }
0x12d: {  	[sflag:s10] =	ssyncadd.s32 $0xFFFE7000  }
0x12e: {  	_ =	swait.ge [sflag:s10], $0x19000  }
0x12f: {  	[sflag:s10] =	ssyncset.done $0x0  }
0x130: {  	[sflag:s10] =	ssyncadd.s32 $0xFFFE7000  }
0x131: {  	_ =	swait.ge [sflag:s10], $0x19000  }
0x132: {  	[sflag:s10] =	ssyncset.done $0x0  }
0x133: {  	[sflag:s10] =	ssyncadd.s32 $0xFFFE7000  }
0x134: {  	_ =	swait.ge [sflag:s10], $0x19000  }
0x135: {  	[sflag:s10] =	ssyncset.done $0x0  }
0x136: {  	[sflag:s10] =	ssyncadd.s32 $0xFFFE7000  }
0x137: {  	_ =	swait.ge [sflag:s10], $0x19000  }
0x138: {  	[sflag:s10] =	ssyncset.done $0x0  }
0x139: {  	s11 =	sadd.s32 $0x1, s11;
	[sflag:s10] =	ssyncadd.s32 $0xFFFE7000  }
0x13a: {  	p0 =	sne.s32 s11, s7;
	_ =	swait.ge [sflag:s10], $0x19000  }
.Ltmp16:
0x13b: {  	[sflag:s10] =	ssyncset.done $0x0;
	(pc) =	sbr.rel @p0 .LBB2_1-.Ltmp16, $4  }
0x13c: {  	[sflag:s10] =	ssyncadd.s32 $0xFFFE7000  }
0x13d: {  	_ =	swait.ge [sflag:s10], $0x19000  }
0x13e: {  	[sflag:s10] =	ssyncset.done $0x0  }
0x13f: {  	[sflag:s10] =	ssyncadd.s32 $0xFFFE7000  }
0x140: {  	_ =	sfence.sel $0x180000  }
0x141: {  	[bflag:$0x0] =	sbarrier.arrive $0xFFFF  }
0x142: {  	_ =	strace $0x90000047  }
0x143: {  	s0 =	stileid.u32;
	[bflag:$0x2] =	sbarrier.arrive $0xFFFF  }
0x144: {  	p0 =	sne.s32 s0, $0x0;
	s0 =	rddreg [dreg:$0x2]  }
0x145: {  	s0 =	sadd.s32 @!p0 $0x100000, s0  }
0x146: {  	[sflag:s0] =	ssyncadd.tile.s32 @!p0 $0x1;
	_ =	shalt  }
.Lfunc_end2:
_tile_overlayer_lowered:
.L_overlay_start_2:
0x147: {  	(tag) =	ssettag $0x2  }
0x148: {  	s0 =	rddreg [dreg:$0x0];
	s2 =	stileid.u32  }
0x149: {  	s1 =	rddreg [dreg:$0x1];
	p0 =	sne.s32 s2, $0x0  }
0x14a: {  	s3 =	rddreg [dreg:$0x2];
	[bflag:$0x3] =	sbarrier.arrive $0xFFFF;
	s2 =	simm.s32 @!p0 $0x1C03  }
0x14b: {  	[timem:s3], [sflag:s2] =	dma.local @!p0 [hbm:s0], s1  }
0x14c: {  	s0 =	simm.s32 @!p0 $0x3  }
0x14d: {  	_ =	swait.ge @!p0 [sflag:s0], s1  }
0x14e: {  	s1 =	ssub.s32 @!p0 $0x0, s1;
	[sflag:s0] =	ssyncset.done @!p0 $0x0  }
0x14f: {  	[sflag:s0] =	ssyncadd.s32 @!p0 s1  }
0x150: {  	[bflag:$0x3] =	sbarrier.arrive $0xFFFF  }
0x151: {  	_ =	shalt  }

</sc_bundles>
